<compile_context>
chip_gen: v7x
topology: tpu7x:2x2x1
jax: 0.10.2.dev20260603
libtpu: 0.0.44.dev20260713+nightly
codegen_flags: <defaults>
</compile_context>

<pallas_src>
import jax
import jax.numpy as jnp
from jax import lax
from jax.experimental import pallas as pl
from jax.experimental.pallas import tpu as pltpu
from jax.experimental.pallas import tpu_sc as plsc

MAX_LEN = 8192
D_MODEL = 768
LANES = 16
NUM_CORES = 2
NUM_SUBCORES = 16
NUM_WORKERS = NUM_CORES * NUM_SUBCORES
ROWS_PER_WORKER = MAX_LEN // NUM_WORKERS
CHUNK = 16
NUM_CHUNKS = ROWS_PER_WORKER // CHUNK
NBUF = 4
VECS_PER_ROW = D_MODEL // LANES


def _body(hours_hbm, days_hbm, pe_hbm, htab_hbm, dtab_hbm, out_hbm,
          hidx_v, didx_v, htab_v, dtab_v, bufs, sem_in, sem_out,
          stg0, stg1, stg2, stg3):
    wid = lax.axis_index("s") * NUM_CORES + lax.axis_index("c")
    base = wid * ROWS_PER_WORKER

    stage = [
        pltpu.async_copy(hours_hbm.at[pl.ds(base, ROWS_PER_WORKER)],
                         hidx_v, stg0),
        pltpu.async_copy(days_hbm.at[pl.ds(base, ROWS_PER_WORKER)],
                         didx_v, stg1),
        pltpu.async_copy(htab_hbm, htab_v, stg2),
        pltpu.async_copy(dtab_hbm, dtab_v, stg3),
    ]

    def in_copy(c, slot, start):
        mk = pltpu.async_copy if start else pltpu.make_async_copy
        return mk(pe_hbm.at[pl.ds(base + c * CHUNK, CHUNK)], bufs.at[slot],
                  sem_in.at[slot])

    def out_copy(c, slot, start):
        mk = pltpu.async_copy if start else pltpu.make_async_copy
        return mk(bufs.at[slot], out_hbm.at[pl.ds(base + c * CHUNK, CHUNK)],
                  sem_out.at[slot])

    for k in range(NBUF - 1):
        in_copy(k, k, start=True)
    for cp in stage:
        cp.wait()

    def chunk_body(t, carry):
        slot = lax.rem(t, NBUF)
        in_copy(t, slot, start=False).wait()
        off = pl.multiple_of(t * CHUNK, CHUNK)
        hvec = hidx_v[pl.ds(off, LANES)]
        dvec = didx_v[pl.ds(off, LANES)]
        for r in range(0, CHUNK, 4):
            hh = [hvec[r + i] for i in range(4)]
            dd = [dvec[r + i] for i in range(4)]

            @plsc.parallel_loop(0, VECS_PER_ROW, 1, unroll=1)
            def vec_body(j, _r=r, _hh=hh, _dd=dd):
                s = pl.ds(pl.multiple_of(j * LANES, LANES), LANES)
                for i in range(4):
                    bufs[slot, _r + i, s] = (bufs[slot, _r + i, s]
                                             + htab_v[_hh[i], s]
                                             + dtab_v[_dd[i], s])
        out_copy(t, slot, start=True)
        nslot = lax.rem(slot + NBUF - 1, NBUF)

        @pl.when(t >= 1)
        def _wait_prev():
            out_copy(t - 1, nslot, start=False).wait()

        @pl.when(t + NBUF - 1 < NUM_CHUNKS)
        def _start_next():
            in_copy(t + NBUF - 1, nslot, start=True)
        return carry

    lax.fori_loop(0, NUM_CHUNKS, chunk_body, 0)
    out_copy(NUM_CHUNKS - 1, (NUM_CHUNKS - 1) % NBUF, start=False).wait()


@jax.jit
def _temporal_embedding(hours, days, pe, hour_embedding, day_embedding):
    mesh = plsc.VectorSubcoreMesh(
        core_axis_name="c", subcore_axis_name="s",
        num_cores=NUM_CORES, num_subcores=NUM_SUBCORES)
    return pl.kernel(
        _body,
        out_type=jax.ShapeDtypeStruct((MAX_LEN, D_MODEL), jnp.float32),
        mesh=mesh,
        scratch_types=[
            pltpu.VMEM((ROWS_PER_WORKER,), jnp.int32),
            pltpu.VMEM((ROWS_PER_WORKER,), jnp.int32),
            pltpu.VMEM((24, D_MODEL), jnp.float32),
            pltpu.VMEM((7, D_MODEL), jnp.float32),
            pltpu.VMEM((NBUF, CHUNK, D_MODEL), jnp.float32),
            pltpu.SemaphoreType.DMA((NBUF,)),
            pltpu.SemaphoreType.DMA((NBUF,)),
            pltpu.SemaphoreType.DMA,
            pltpu.SemaphoreType.DMA,
            pltpu.SemaphoreType.DMA,
            pltpu.SemaphoreType.DMA,
        ],
    )(hours, days, pe, hour_embedding, day_embedding)


def kernel(hours, days, pe, hour_embedding, day_embedding):
    return _temporal_embedding(hours, days, pe, hour_embedding, day_embedding)

# --- scband reference (transcript-rebuilt; emitter-appended) ---
"""Pipeline reference for scband-temporal-embedding-53111565582740 (READ-ONLY COPY).

The authoritative reference and input builder live on the scoring server;
editing this copy changes nothing except your own understanding.
"""

import jax, jax.numpy as jnp
import numpy as np

MAX_LEN = 8192
D_MODEL = 768

def _make_pe(max_len, d_model):
    position = np.arange(max_len, dtype=np.float32)[:, None]
    div_term = np.exp(np.arange(0, d_model, 2, dtype=np.float32) * (-np.log(10000.0) / d_model))
    pe = np.zeros((max_len, d_model), dtype=np.float32)
    pe[:, 0::2] = np.sin(position * div_term)
    pe[:, 1::2] = np.cos(position * div_term)
    return jnp.asarray(pe)

def setup_inputs(seed: int = 0) -> dict:
    key = jax.random.key(seed)
    k1, k2, k3, k4 = jax.random.split(key, 4)
    hours = jax.random.randint(k1, (MAX_LEN,), 0, 24, dtype=jnp.int64 if jax.config.jax_enable_x64 else jnp.int32).astype(jnp.int32)
    days = jax.random.randint(k2, (MAX_LEN,), 0, 7).astype(jnp.int32)
    hour_embedding = jax.random.normal(k3, (24, D_MODEL), dtype=jnp.float32)
    day_embedding = jax.random.normal(k4, (7, D_MODEL), dtype=jnp.float32)
    pe = _make_pe(MAX_LEN, D_MODEL)
    return {"hours": hours, "days": days, "pe": pe, "hour_embedding": hour_embedding, "day_embedding": day_embedding}

def reference(hours, days, pe, hour_embedding, day_embedding):
    seq_len = hours.shape[0]
    out = pe[:seq_len]
    out = out + jnp.take(hour_embedding, hours, axis=0) + jnp.take(day_embedding, days, axis=0)
    return out

if __name__ == "__main__":
    import jax
    _d = setup_inputs()
    print(jax.jit(kernel)(*tuple(_d.values())))

</pallas_src>

<mosaic_0001>
#map = affine_map<(d0, d1) -> (0)>
#map1 = affine_map<(d0, d1) -> (0, 0)>
module attributes {stable_mosaic.version = 14 : i64} {
  func.func @_body(%arg0: i32, %arg1: i32, %arg2: memref<8192xi32, #tpu.memory_space<hbm>>, %arg3: memref<8192xi32, #tpu.memory_space<hbm>>, %arg4: memref<8192x768xf32, #tpu.memory_space<hbm>>, %arg5: memref<24x768xf32, #tpu.memory_space<hbm>>, %arg6: memref<7x768xf32, #tpu.memory_space<hbm>>, %arg7: memref<8192x768xf32, #tpu.memory_space<hbm>>, %arg8: memref<256xi32, #tpu.memory_space<vmem>>, %arg9: memref<256xi32, #tpu.memory_space<vmem>>, %arg10: memref<24x768xf32, #tpu.memory_space<vmem>>, %arg11: memref<7x768xf32, #tpu.memory_space<vmem>>, %arg12: memref<4x16x768xf32, #tpu.memory_space<vmem>>, %arg13: memref<4x!tpu.dma_semaphore, #tpu.memory_space<semaphore_mem>>, %arg14: memref<4x!tpu.dma_semaphore, #tpu.memory_space<semaphore_mem>>, %arg15: memref<!tpu.dma_semaphore, #tpu.memory_space<semaphore_mem>>, %arg16: memref<!tpu.dma_semaphore, #tpu.memory_space<semaphore_mem>>, %arg17: memref<!tpu.dma_semaphore, #tpu.memory_space<semaphore_mem>>, %arg18: memref<!tpu.dma_semaphore, #tpu.memory_space<semaphore_mem>>) attributes {dimension_semantics = [#tpu.dimension_semantics<core_parallel>, #tpu.dimension_semantics<subcore_parallel>], iteration_bounds = array<i64: 2, 16>, scalar_prefetch = 0 : i64, scratch_operands = 11 : i64, tpu.core_type = #tpu.core_type<sc_vector_subcore>, window_params = [{transform_indices = #map}, {transform_indices = #map}, {transform_indices = #map1}, {transform_indices = #map1}, {transform_indices = #map1}, {transform_indices = #map1}]} {
    %mul3A = arith.constant 2 : i32
    %mul3A_0 = arith.muli %arg1, %mul3A : i32
    %add3A = arith.addi %mul3A_0, %arg0 : i32
    %mul3A_1 = arith.constant 256 : i32
    %mul3A_2 = arith.muli %add3A, %mul3A_1 : i32
    %dma_start3A = tpu.memref_slice %arg2[%mul3A_2] : memref<8192xi32, #tpu.memory_space<hbm>> -> memref<256xi32, #tpu.memory_space<hbm>>
    %dma_start3A_3 = tpu.memref_slice %arg2[%mul3A_2] : memref<8192xi32, #tpu.memory_space<hbm>> -> memref<256xi32, #tpu.memory_space<hbm>>
    tpu.enqueue_dma source(%dma_start3A_3 : memref<256xi32, #tpu.memory_space<hbm>>) target(%arg8 : memref<256xi32, #tpu.memory_space<vmem>>) target_semaphore(%arg15 : memref<!tpu.dma_semaphore, #tpu.memory_space<semaphore_mem>>)
    %dma_start3A_4 = tpu.memref_slice %arg3[%mul3A_2] : memref<8192xi32, #tpu.memory_space<hbm>> -> memref<256xi32, #tpu.memory_space<hbm>>
    %dma_start3A_5 = tpu.memref_slice %arg3[%mul3A_2] : memref<8192xi32, #tpu.memory_space<hbm>> -> memref<256xi32, #tpu.memory_space<hbm>>
    tpu.enqueue_dma source(%dma_start3A_5 : memref<256xi32, #tpu.memory_space<hbm>>) target(%arg9 : memref<256xi32, #tpu.memory_space<vmem>>) target_semaphore(%arg16 : memref<!tpu.dma_semaphore, #tpu.memory_space<semaphore_mem>>)
    tpu.enqueue_dma source(%arg5 : memref<24x768xf32, #tpu.memory_space<hbm>>) target(%arg10 : memref<24x768xf32, #tpu.memory_space<vmem>>) target_semaphore(%arg17 : memref<!tpu.dma_semaphore, #tpu.memory_space<semaphore_mem>>)
    tpu.enqueue_dma source(%arg6 : memref<7x768xf32, #tpu.memory_space<hbm>>) target(%arg11 : memref<7x768xf32, #tpu.memory_space<vmem>>) target_semaphore(%arg18 : memref<!tpu.dma_semaphore, #tpu.memory_space<semaphore_mem>>)
    %add3A_6 = arith.constant 0 : i32
    %add3A_7 = arith.addi %mul3A_2, %add3A_6 : i32
    %dma_start3A_8 = arith.constant 0 : i32
    %dma_start3A_9 = arith.constant 0 : i32
    %dma_start3A_10 = arith.constant 0 : i32
    %dma_start3A_11 = arith.constant 0 : i32
    %dma_start3A_12 = tpu.memref_slice %arg12[%dma_start3A_8, %dma_start3A_10, %dma_start3A_11] : memref<4x16x768xf32, #tpu.memory_space<vmem>> -> memref<1x16x768xf32, #tpu.memory_space<vmem>>
    %dma_start3A_13 = tpu.memref_squeeze %dma_start3A_12 : memref<1x16x768xf32, #tpu.memory_space<vmem>> -> memref<16x768xf32, #tpu.memory_space<vmem>>
    %dma_start3A_14 = arith.constant 0 : i32
    %dma_start3A_15 = tpu.memref_slice %arg4[%add3A_7, %dma_start3A_14] : memref<8192x768xf32, #tpu.memory_space<hbm>> -> memref<16x768xf32, #tpu.memory_space<hbm>>
    %dma_start3A_16 = tpu.memref_slice %arg13[%dma_start3A_9] : memref<4x!tpu.dma_semaphore, #tpu.memory_space<semaphore_mem>> -> memref<1x!tpu.dma_semaphore, #tpu.memory_space<semaphore_mem>>
    %dma_start3A_17 = tpu.memref_squeeze %dma_start3A_16 : memref<1x!tpu.dma_semaphore, #tpu.memory_space<semaphore_mem>> -> memref<!tpu.dma_semaphore, #tpu.memory_space<semaphore_mem>>
    %dma_start3A_18 = arith.constant 0 : i32
    %dma_start3A_19 = arith.constant 0 : i32
    %dma_start3A_20 = tpu.memref_slice %arg12[%dma_start3A_8, %dma_start3A_18, %dma_start3A_19] : memref<4x16x768xf32, #tpu.memory_space<vmem>> -> memref<1x16x768xf32, #tpu.memory_space<vmem>>
    %dma_start3A_21 = tpu.memref_squeeze %dma_start3A_20 : memref<1x16x768xf32, #tpu.memory_space<vmem>> -> memref<16x768xf32, #tpu.memory_space<vmem>>
    %dma_start3A_22 = arith.constant 0 : i32
    %dma_start3A_23 = tpu.memref_slice %arg4[%add3A_7, %dma_start3A_22] : memref<8192x768xf32, #tpu.memory_space<hbm>> -> memref<16x768xf32, #tpu.memory_space<hbm>>
    tpu.enqueue_dma source(%dma_start3A_23 : memref<16x768xf32, #tpu.memory_space<hbm>>) target(%dma_start3A_21 : memref<16x768xf32, #tpu.memory_space<vmem>>) target_semaphore(%dma_start3A_17 : memref<!tpu.dma_semaphore, #tpu.memory_space<semaphore_mem>>)
    %add3A_24 = arith.constant 16 : i32
    %add3A_25 = arith.addi %mul3A_2, %add3A_24 : i32
    %dma_start3A_26 = arith.constant 1 : i32
    %dma_start3A_27 = arith.constant 1 : i32
    %dma_start3A_28 = arith.constant 0 : i32
    %dma_start3A_29 = arith.constant 0 : i32
    %dma_start3A_30 = tpu.memref_slice %arg12[%dma_start3A_26, %dma_start3A_28, %dma_start3A_29] : memref<4x16x768xf32, #tpu.memory_space<vmem>> -> memref<1x16x768xf32, #tpu.memory_space<vmem>>
    %dma_start3A_31 = tpu.memref_squeeze %dma_start3A_30 : memref<1x16x768xf32, #tpu.memory_space<vmem>> -> memref<16x768xf32, #tpu.memory_space<vmem>>
    %dma_start3A_32 = arith.constant 0 : i32
    %dma_start3A_33 = tpu.memref_slice %arg4[%add3A_25, %dma_start3A_32] : memref<8192x768xf32, #tpu.memory_space<hbm>> -> memref<16x768xf32, #tpu.memory_space<hbm>>
    %dma_start3A_34 = tpu.memref_slice %arg13[%dma_start3A_27] : memref<4x!tpu.dma_semaphore, #tpu.memory_space<semaphore_mem>> -> memref<1x!tpu.dma_semaphore, #tpu.memory_space<semaphore_mem>>
    %dma_start3A_35 = tpu.memref_squeeze %dma_start3A_34 : memref<1x!tpu.dma_semaphore, #tpu.memory_space<semaphore_mem>> -> memref<!tpu.dma_semaphore, #tpu.memory_space<semaphore_mem>>
    %dma_start3A_36 = arith.constant 0 : i32
    %dma_start3A_37 = arith.constant 0 : i32
    %dma_start3A_38 = tpu.memref_slice %arg12[%dma_start3A_26, %dma_start3A_36, %dma_start3A_37] : memref<4x16x768xf32, #tpu.memory_space<vmem>> -> memref<1x16x768xf32, #tpu.memory_space<vmem>>
    %dma_start3A_39 = tpu.memref_squeeze %dma_start3A_38 : memref<1x16x768xf32, #tpu.memory_space<vmem>> -> memref<16x768xf32, #tpu.memory_space<vmem>>
    %dma_start3A_40 = arith.constant 0 : i32
    %dma_start3A_41 = tpu.memref_slice %arg4[%add3A_25, %dma_start3A_40] : memref<8192x768xf32, #tpu.memory_space<hbm>> -> memref<16x768xf32, #tpu.memory_space<hbm>>
    tpu.enqueue_dma source(%dma_start3A_41 : memref<16x768xf32, #tpu.memory_space<hbm>>) target(%dma_start3A_39 : memref<16x768xf32, #tpu.memory_space<vmem>>) target_semaphore(%dma_start3A_35 : memref<!tpu.dma_semaphore, #tpu.memory_space<semaphore_mem>>)
    %add3A_42 = arith.constant 32 : i32
    %add3A_43 = arith.addi %mul3A_2, %add3A_42 : i32
    %dma_start3A_44 = arith.constant 2 : i32
    %dma_start3A_45 = arith.constant 2 : i32
    %dma_start3A_46 = arith.constant 0 : i32
    %dma_start3A_47 = arith.constant 0 : i32
    %dma_start3A_48 = tpu.memref_slice %arg12[%dma_start3A_44, %dma_start3A_46, %dma_start3A_47] : memref<4x16x768xf32, #tpu.memory_space<vmem>> -> memref<1x16x768xf32, #tpu.memory_space<vmem>>
    %dma_start3A_49 = tpu.memref_squeeze %dma_start3A_48 : memref<1x16x768xf32, #tpu.memory_space<vmem>> -> memref<16x768xf32, #tpu.memory_space<vmem>>
    %dma_start3A_50 = arith.constant 0 : i32
    %dma_start3A_51 = tpu.memref_slice %arg4[%add3A_43, %dma_start3A_50] : memref<8192x768xf32, #tpu.memory_space<hbm>> -> memref<16x768xf32, #tpu.memory_space<hbm>>
    %dma_start3A_52 = tpu.memref_slice %arg13[%dma_start3A_45] : memref<4x!tpu.dma_semaphore, #tpu.memory_space<semaphore_mem>> -> memref<1x!tpu.dma_semaphore, #tpu.memory_space<semaphore_mem>>
    %dma_start3A_53 = tpu.memref_squeeze %dma_start3A_52 : memref<1x!tpu.dma_semaphore, #tpu.memory_space<semaphore_mem>> -> memref<!tpu.dma_semaphore, #tpu.memory_space<semaphore_mem>>
    %dma_start3A_54 = arith.constant 0 : i32
    %dma_start3A_55 = arith.constant 0 : i32
    %dma_start3A_56 = tpu.memref_slice %arg12[%dma_start3A_44, %dma_start3A_54, %dma_start3A_55] : memref<4x16x768xf32, #tpu.memory_space<vmem>> -> memref<1x16x768xf32, #tpu.memory_space<vmem>>
    %dma_start3A_57 = tpu.memref_squeeze %dma_start3A_56 : memref<1x16x768xf32, #tpu.memory_space<vmem>> -> memref<16x768xf32, #tpu.memory_space<vmem>>
    %dma_start3A_58 = arith.constant 0 : i32
    %dma_start3A_59 = tpu.memref_slice %arg4[%add3A_43, %dma_start3A_58] : memref<8192x768xf32, #tpu.memory_space<hbm>> -> memref<16x768xf32, #tpu.memory_space<hbm>>
    tpu.enqueue_dma source(%dma_start3A_59 : memref<16x768xf32, #tpu.memory_space<hbm>>) target(%dma_start3A_57 : memref<16x768xf32, #tpu.memory_space<vmem>>) target_semaphore(%dma_start3A_53 : memref<!tpu.dma_semaphore, #tpu.memory_space<semaphore_mem>>)
    %dma_wait3A = tpu.memref_slice %arg2[%mul3A_2] : memref<8192xi32, #tpu.memory_space<hbm>> -> memref<256xi32, #tpu.memory_space<hbm>>
    %dma_wait3A_60 = tpu.memref_slice %arg2[%mul3A_2] : memref<8192xi32, #tpu.memory_space<hbm>> -> memref<256xi32, #tpu.memory_space<hbm>>
    tpu.wait_dma2 semaphore(%arg15 : memref<!tpu.dma_semaphore, #tpu.memory_space<semaphore_mem>>) src(%dma_wait3A_60 : memref<256xi32, #tpu.memory_space<hbm>>) dst(%arg8 : memref<256xi32, #tpu.memory_space<vmem>>)
    %dma_wait3A_61 = tpu.memref_slice %arg3[%mul3A_2] : memref<8192xi32, #tpu.memory_space<hbm>> -> memref<256xi32, #tpu.memory_space<hbm>>
    %dma_wait3A_62 = tpu.memref_slice %arg3[%mul3A_2] : memref<8192xi32, #tpu.memory_space<hbm>> -> memref<256xi32, #tpu.memory_space<hbm>>
    tpu.wait_dma2 semaphore(%arg16 : memref<!tpu.dma_semaphore, #tpu.memory_space<semaphore_mem>>) src(%dma_wait3A_62 : memref<256xi32, #tpu.memory_space<hbm>>) dst(%arg9 : memref<256xi32, #tpu.memory_space<vmem>>)
    tpu.wait_dma2 semaphore(%arg17 : memref<!tpu.dma_semaphore, #tpu.memory_space<semaphore_mem>>) src(%arg5 : memref<24x768xf32, #tpu.memory_space<hbm>>) dst(%arg10 : memref<24x768xf32, #tpu.memory_space<vmem>>)
    tpu.wait_dma2 semaphore(%arg18 : memref<!tpu.dma_semaphore, #tpu.memory_space<semaphore_mem>>) src(%arg6 : memref<7x768xf32, #tpu.memory_space<hbm>>) dst(%arg11 : memref<7x768xf32, #tpu.memory_space<vmem>>)
    %scan3A = arith.constant 0 : i32
    %scan3A_63 = arith.constant 0 : i32
    %scan3A_64 = arith.constant 16 : i32
    %scan3A_65 = arith.addi %scan3A_63, %scan3A_64 : i32
    %scan3A_66 = arith.constant 1 : i32
    scf.for %scan3A_86 = %scan3A_63 to %scan3A_65 step %scan3A_66  : i32 {
      %rem3A = arith.constant 4 : i32
      %rem3A_87 = arith.remsi %scan3A_86, %rem3A : i32
      %mul3A_88 = arith.constant 16 : i32
      %mul3A_89 = arith.muli %scan3A_86, %mul3A_88 : i32
      %add3A_90 = arith.addi %mul3A_2, %mul3A_89 : i32
      %dma_wait3A_91 = arith.constant 0 : i32
      %dma_wait3A_92 = arith.constant 0 : i32
      %dma_wait3A_93 = tpu.memref_slice %arg12[%rem3A_87, %dma_wait3A_91, %dma_wait3A_92] : memref<4x16x768xf32, #tpu.memory_space<vmem>> -> memref<1x16x768xf32, #tpu.memory_space<vmem>>
      %dma_wait3A_94 = tpu.memref_squeeze %dma_wait3A_93 : memref<1x16x768xf32, #tpu.memory_space<vmem>> -> memref<16x768xf32, #tpu.memory_space<vmem>>
      %dma_wait3A_95 = arith.constant 0 : i32
      %dma_wait3A_96 = tpu.memref_slice %arg4[%add3A_90, %dma_wait3A_95] : memref<8192x768xf32, #tpu.memory_space<hbm>> -> memref<16x768xf32, #tpu.memory_space<hbm>>
      %dma_wait3A_97 = tpu.memref_slice %arg13[%rem3A_87] : memref<4x!tpu.dma_semaphore, #tpu.memory_space<semaphore_mem>> -> memref<1x!tpu.dma_semaphore, #tpu.memory_space<semaphore_mem>>
      %dma_wait3A_98 = tpu.memref_squeeze %dma_wait3A_97 : memref<1x!tpu.dma_semaphore, #tpu.memory_space<semaphore_mem>> -> memref<!tpu.dma_semaphore, #tpu.memory_space<semaphore_mem>>
      %dma_wait3A_99 = arith.constant 0 : i32
      %dma_wait3A_100 = arith.constant 0 : i32
      %dma_wait3A_101 = tpu.memref_slice %arg12[%rem3A_87, %dma_wait3A_99, %dma_wait3A_100] : memref<4x16x768xf32, #tpu.memory_space<vmem>> -> memref<1x16x768xf32, #tpu.memory_space<vmem>>
      %dma_wait3A_102 = tpu.memref_squeeze %dma_wait3A_101 : memref<1x16x768xf32, #tpu.memory_space<vmem>> -> memref<16x768xf32, #tpu.memory_space<vmem>>
      %dma_wait3A_103 = arith.constant 0 : i32
      %dma_wait3A_104 = tpu.memref_slice %arg4[%add3A_90, %dma_wait3A_103] : memref<8192x768xf32, #tpu.memory_space<hbm>> -> memref<16x768xf32, #tpu.memory_space<hbm>>
      tpu.wait_dma2 semaphore(%dma_wait3A_98 : memref<!tpu.dma_semaphore, #tpu.memory_space<semaphore_mem>>) src(%dma_wait3A_104 : memref<16x768xf32, #tpu.memory_space<hbm>>) dst(%dma_wait3A_102 : memref<16x768xf32, #tpu.memory_space<vmem>>)
      %mul3A_105 = arith.constant 16 : i32
      %mul3A_106 = arith.muli %scan3A_86, %mul3A_105 : i32
      %multiple_of3A = tpu.assume_multiple %mul3A_106, 16 : i32
      %get3A = arith.index_cast %multiple_of3A : i32 to index
      %get3A_107 = tpu.vector_load %arg8[%get3A] {strides = array<i32>} : memref<256xi32, #tpu.memory_space<vmem>>, vector<16xi32>,
      %get3A_108 = vector.shape_cast %get3A_107 : vector<16xi32> to vector<16xi32>
      %get3A_109 = arith.index_cast %multiple_of3A : i32 to index
      %get3A_110 = tpu.vector_load %arg9[%get3A_109] {strides = array<i32>} : memref<256xi32, #tpu.memory_space<vmem>>, vector<16xi32>,
      %get3A_111 = vector.shape_cast %get3A_110 : vector<16xi32> to vector<16xi32>
      %slice3A = vector.extract_strided_slice %get3A_108 {offsets = [0], sizes = [1], strides = [1]} : vector<16xi32> to vector<1xi32>
      %squeeze3A = vector.extract %slice3A[0] : i32 from vector<1xi32>
      %slice3A_112 = vector.extract_strided_slice %get3A_108 {offsets = [1], sizes = [1], strides = [1]} : vector<16xi32> to vector<1xi32>
      %squeeze3A_113 = vector.extract %slice3A_112[0] : i32 from vector<1xi32>
      %slice3A_114 = vector.extract_strided_slice %get3A_108 {offsets = [2], sizes = [1], strides = [1]} : vector<16xi32> to vector<1xi32>
      %squeeze3A_115 = vector.extract %slice3A_114[0] : i32 from vector<1xi32>
      %slice3A_116 = vector.extract_strided_slice %get3A_108 {offsets = [3], sizes = [1], strides = [1]} : vector<16xi32> to vector<1xi32>
      %squeeze3A_117 = vector.extract %slice3A_116[0] : i32 from vector<1xi32>
      %slice3A_118 = vector.extract_strided_slice %get3A_111 {offsets = [0], sizes = [1], strides = [1]} : vector<16xi32> to vector<1xi32>
      %squeeze3A_119 = vector.extract %slice3A_118[0] : i32 from vector<1xi32>
      %slice3A_120 = vector.extract_strided_slice %get3A_111 {offsets = [1], sizes = [1], strides = [1]} : vector<16xi32> to vector<1xi32>
      %squeeze3A_121 = vector.extract %slice3A_120[0] : i32 from vector<1xi32>
      %slice3A_122 = vector.extract_strided_slice %get3A_111 {offsets = [2], sizes = [1], strides = [1]} : vector<16xi32> to vector<1xi32>
      %squeeze3A_123 = vector.extract %slice3A_122[0] : i32 from vector<1xi32>
      %slice3A_124 = vector.extract_strided_slice %get3A_111 {offsets = [3], sizes = [1], strides = [1]} : vector<16xi32> to vector<1xi32>
      %squeeze3A_125 = vector.extract %slice3A_124[0] : i32 from vector<1xi32>
      %parallel_loop3A = arith.constant 0 : i32
      %parallel_loop3A_126 = arith.constant 48 : i32
      %parallel_loop3A_127 = arith.constant 1 : i32
      scf.for %parallel_loop3A_217 = %parallel_loop3A to %parallel_loop3A_126 step %parallel_loop3A_127  : i32 {
        %parallel_loop3A_218 = arith.constant 16 : i32
        %parallel_loop3A_219 = arith.muli %parallel_loop3A_217, %parallel_loop3A_218 : i32
        %parallel_loop3A_220 = tpu.assume_multiple %parallel_loop3A_219, 16 : i32
        %parallel_loop3A_221 = arith.constant 0 : i32
        %parallel_loop3A_222 = arith.index_cast %rem3A_87 : i32 to index
        %parallel_loop3A_223 = arith.index_cast %parallel_loop3A_221 : i32 to index
        %parallel_loop3A_224 = arith.index_cast %parallel_loop3A_220 : i32 to index
        %parallel_loop3A_225 = tpu.vector_load %arg12[%parallel_loop3A_222, %parallel_loop3A_223, %parallel_loop3A_224] {strides = array<i32>} : memref<4x16x768xf32, #tpu.memory_space<vmem>>, vector<1x1x16xf32>,
        %parallel_loop3A_226 = vector.shape_cast %parallel_loop3A_225 : vector<1x1x16xf32> to vector<16xf32>
        %parallel_loop3A_227 = arith.index_cast %squeeze3A : i32 to index
        %parallel_loop3A_228 = arith.index_cast %parallel_loop3A_220 : i32 to index
        %parallel_loop3A_229 = tpu.vector_load %arg10[%parallel_loop3A_227, %parallel_loop3A_228] {strides = array<i32>} : memref<24x768xf32, #tpu.memory_space<vmem>>, vector<1x16xf32>,
        %parallel_loop3A_230 = vector.shape_cast %parallel_loop3A_229 : vector<1x16xf32> to vector<16xf32>
        %parallel_loop3A_231 = arith.addf %parallel_loop3A_226, %parallel_loop3A_230 : vector<16xf32>
        %parallel_loop3A_232 = arith.index_cast %squeeze3A_119 : i32 to index
        %parallel_loop3A_233 = arith.index_cast %parallel_loop3A_220 : i32 to index
        %parallel_loop3A_234 = tpu.vector_load %arg11[%parallel_loop3A_232, %parallel_loop3A_233] {strides = array<i32>} : memref<7x768xf32, #tpu.memory_space<vmem>>, vector<1x16xf32>,
        %parallel_loop3A_235 = vector.shape_cast %parallel_loop3A_234 : vector<1x16xf32> to vector<16xf32>
        %parallel_loop3A_236 = arith.addf %parallel_loop3A_231, %parallel_loop3A_235 : vector<16xf32>
        %parallel_loop3A_237 = arith.constant 0 : i32
        %parallel_loop3A_238 = arith.index_cast %rem3A_87 : i32 to index
        %parallel_loop3A_239 = arith.index_cast %parallel_loop3A_237 : i32 to index
        %parallel_loop3A_240 = arith.index_cast %parallel_loop3A_220 : i32 to index
        %parallel_loop3A_241 = tpu.vector_load %arg12[%parallel_loop3A_238, %parallel_loop3A_239, %parallel_loop3A_240] {strides = array<i32>} : memref<4x16x768xf32, #tpu.memory_space<vmem>>, vector<1x1x16xf32>,
        %parallel_loop3A_242 = vector.shape_cast %parallel_loop3A_241 : vector<1x1x16xf32> to vector<16xf32>
        %parallel_loop3A_243 = vector.shape_cast %parallel_loop3A_236 : vector<16xf32> to vector<1x1x16xf32>
        tpu.vector_store %arg12[%parallel_loop3A_238, %parallel_loop3A_239, %parallel_loop3A_240], %parallel_loop3A_243 {strides = array<i32>} : memref<4x16x768xf32, #tpu.memory_space<vmem>>, vector<1x1x16xf32>,
        %parallel_loop3A_244 = arith.constant 1 : i32
        %parallel_loop3A_245 = arith.index_cast %rem3A_87 : i32 to index
        %parallel_loop3A_246 = arith.index_cast %parallel_loop3A_244 : i32 to index
        %parallel_loop3A_247 = arith.index_cast %parallel_loop3A_220 : i32 to index
        %parallel_loop3A_248 = tpu.vector_load %arg12[%parallel_loop3A_245, %parallel_loop3A_246, %parallel_loop3A_247] {strides = array<i32>} : memref<4x16x768xf32, #tpu.memory_space<vmem>>, vector<1x1x16xf32>,
        %parallel_loop3A_249 = vector.shape_cast %parallel_loop3A_248 : vector<1x1x16xf32> to vector<16xf32>
        %parallel_loop3A_250 = arith.index_cast %squeeze3A_113 : i32 to index
        %parallel_loop3A_251 = arith.index_cast %parallel_loop3A_220 : i32 to index
        %parallel_loop3A_252 = tpu.vector_load %arg10[%parallel_loop3A_250, %parallel_loop3A_251] {strides = array<i32>} : memref<24x768xf32, #tpu.memory_space<vmem>>, vector<1x16xf32>,
        %parallel_loop3A_253 = vector.shape_cast %parallel_loop3A_252 : vector<1x16xf32> to vector<16xf32>
        %parallel_loop3A_254 = arith.addf %parallel_loop3A_249, %parallel_loop3A_253 : vector<16xf32>
        %parallel_loop3A_255 = arith.index_cast %squeeze3A_121 : i32 to index
        %parallel_loop3A_256 = arith.index_cast %parallel_loop3A_220 : i32 to index
        %parallel_loop3A_257 = tpu.vector_load %arg11[%parallel_loop3A_255, %parallel_loop3A_256] {strides = array<i32>} : memref<7x768xf32, #tpu.memory_space<vmem>>, vector<1x16xf32>,
        %parallel_loop3A_258 = vector.shape_cast %parallel_loop3A_257 : vector<1x16xf32> to vector<16xf32>
        %parallel_loop3A_259 = arith.addf %parallel_loop3A_254, %parallel_loop3A_258 : vector<16xf32>
        %parallel_loop3A_260 = arith.constant 1 : i32
        %parallel_loop3A_261 = arith.index_cast %rem3A_87 : i32 to index
        %parallel_loop3A_262 = arith.index_cast %parallel_loop3A_260 : i32 to index
        %parallel_loop3A_263 = arith.index_cast %parallel_loop3A_220 : i32 to index
        %parallel_loop3A_264 = tpu.vector_load %arg12[%parallel_loop3A_261, %parallel_loop3A_262, %parallel_loop3A_263] {strides = array<i32>} : memref<4x16x768xf32, #tpu.memory_space<vmem>>, vector<1x1x16xf32>,
        %parallel_loop3A_265 = vector.shape_cast %parallel_loop3A_264 : vector<1x1x16xf32> to vector<16xf32>
        %parallel_loop3A_266 = vector.shape_cast %parallel_loop3A_259 : vector<16xf32> to vector<1x1x16xf32>
        tpu.vector_store %arg12[%parallel_loop3A_261, %parallel_loop3A_262, %parallel_loop3A_263], %parallel_loop3A_266 {strides = array<i32>} : memref<4x16x768xf32, #tpu.memory_space<vmem>>, vector<1x1x16xf32>,
        %parallel_loop3A_267 = arith.constant 2 : i32
        %parallel_loop3A_268 = arith.index_cast %rem3A_87 : i32 to index
        %parallel_loop3A_269 = arith.index_cast %parallel_loop3A_267 : i32 to index
        %parallel_loop3A_270 = arith.index_cast %parallel_loop3A_220 : i32 to index
        %parallel_loop3A_271 = tpu.vector_load %arg12[%parallel_loop3A_268, %parallel_loop3A_269, %parallel_loop3A_270] {strides = array<i32>} : memref<4x16x768xf32, #tpu.memory_space<vmem>>, vector<1x1x16xf32>,
        %parallel_loop3A_272 = vector.shape_cast %parallel_loop3A_271 : vector<1x1x16xf32> to vector<16xf32>
        %parallel_loop3A_273 = arith.index_cast %squeeze3A_115 : i32 to index
        %parallel_loop3A_274 = arith.index_cast %parallel_loop3A_220 : i32 to index
        %parallel_loop3A_275 = tpu.vector_load %arg10[%parallel_loop3A_273, %parallel_loop3A_274] {strides = array<i32>} : memref<24x768xf32, #tpu.memory_space<vmem>>, vector<1x16xf32>,
        %parallel_loop3A_276 = vector.shape_cast %parallel_loop3A_275 : vector<1x16xf32> to vector<16xf32>
        %parallel_loop3A_277 = arith.addf %parallel_loop3A_272, %parallel_loop3A_276 : vector<16xf32>
        %parallel_loop3A_278 = arith.index_cast %squeeze3A_123 : i32 to index
        %parallel_loop3A_279 = arith.index_cast %parallel_loop3A_220 : i32 to index
        %parallel_loop3A_280 = tpu.vector_load %arg11[%parallel_loop3A_278, %parallel_loop3A_279] {strides = array<i32>} : memref<7x768xf32, #tpu.memory_space<vmem>>, vector<1x16xf32>,
        %parallel_loop3A_281 = vector.shape_cast %parallel_loop3A_280 : vector<1x16xf32> to vector<16xf32>
        %parallel_loop3A_282 = arith.addf %parallel_loop3A_277, %parallel_loop3A_281 : vector<16xf32>
        %parallel_loop3A_283 = arith.constant 2 : i32
        %parallel_loop3A_284 = arith.index_cast %rem3A_87 : i32 to index
        %parallel_loop3A_285 = arith.index_cast %parallel_loop3A_283 : i32 to index
        %parallel_loop3A_286 = arith.index_cast %parallel_loop3A_220 : i32 to index
        %parallel_loop3A_287 = tpu.vector_load %arg12[%parallel_loop3A_284, %parallel_loop3A_285, %parallel_loop3A_286] {strides = array<i32>} : memref<4x16x768xf32, #tpu.memory_space<vmem>>, vector<1x1x16xf32>,
        %parallel_loop3A_288 = vector.shape_cast %parallel_loop3A_287 : vector<1x1x16xf32> to vector<16xf32>
        %parallel_loop3A_289 = vector.shape_cast %parallel_loop3A_282 : vector<16xf32> to vector<1x1x16xf32>
        tpu.vector_store %arg12[%parallel_loop3A_284, %parallel_loop3A_285, %parallel_loop3A_286], %parallel_loop3A_289 {strides = array<i32>} : memref<4x16x768xf32, #tpu.memory_space<vmem>>, vector<1x1x16xf32>,
        %parallel_loop3A_290 = arith.constant 3 : i32
        %parallel_loop3A_291 = arith.index_cast %rem3A_87 : i32 to index
        %parallel_loop3A_292 = arith.index_cast %parallel_loop3A_290 : i32 to index
        %parallel_loop3A_293 = arith.index_cast %parallel_loop3A_220 : i32 to index
        %parallel_loop3A_294 = tpu.vector_load %arg12[%parallel_loop3A_291, %parallel_loop3A_292, %parallel_loop3A_293] {strides = array<i32>} : memref<4x16x768xf32, #tpu.memory_space<vmem>>, vector<1x1x16xf32>,
        %parallel_loop3A_295 = vector.shape_cast %parallel_loop3A_294 : vector<1x1x16xf32> to vector<16xf32>
        %parallel_loop3A_296 = arith.index_cast %squeeze3A_117 : i32 to index
        %parallel_loop3A_297 = arith.index_cast %parallel_loop3A_220 : i32 to index
        %parallel_loop3A_298 = tpu.vector_load %arg10[%parallel_loop3A_296, %parallel_loop3A_297] {strides = array<i32>} : memref<24x768xf32, #tpu.memory_space<vmem>>, vector<1x16xf32>,
        %parallel_loop3A_299 = vector.shape_cast %parallel_loop3A_298 : vector<1x16xf32> to vector<16xf32>
        %parallel_loop3A_300 = arith.addf %parallel_loop3A_295, %parallel_loop3A_299 : vector<16xf32>
        %parallel_loop3A_301 = arith.index_cast %squeeze3A_125 : i32 to index
        %parallel_loop3A_302 = arith.index_cast %parallel_loop3A_220 : i32 to index
        %parallel_loop3A_303 = tpu.vector_load %arg11[%parallel_loop3A_301, %parallel_loop3A_302] {strides = array<i32>} : memref<7x768xf32, #tpu.memory_space<vmem>>, vector<1x16xf32>,
        %parallel_loop3A_304 = vector.shape_cast %parallel_loop3A_303 : vector<1x16xf32> to vector<16xf32>
        %parallel_loop3A_305 = arith.addf %parallel_loop3A_300, %parallel_loop3A_304 : vector<16xf32>
        %parallel_loop3A_306 = arith.constant 3 : i32
        %parallel_loop3A_307 = arith.index_cast %rem3A_87 : i32 to index
        %parallel_loop3A_308 = arith.index_cast %parallel_loop3A_306 : i32 to index
        %parallel_loop3A_309 = arith.index_cast %parallel_loop3A_220 : i32 to index
        %parallel_loop3A_310 = tpu.vector_load %arg12[%parallel_loop3A_307, %parallel_loop3A_308, %parallel_loop3A_309] {strides = array<i32>} : memref<4x16x768xf32, #tpu.memory_space<vmem>>, vector<1x1x16xf32>,
        %parallel_loop3A_311 = vector.shape_cast %parallel_loop3A_310 : vector<1x1x16xf32> to vector<16xf32>
        %parallel_loop3A_312 = vector.shape_cast %parallel_loop3A_305 : vector<16xf32> to vector<1x1x16xf32>
        tpu.vector_store %arg12[%parallel_loop3A_307, %parallel_loop3A_308, %parallel_loop3A_309], %parallel_loop3A_312 {strides = array<i32>} : memref<4x16x768xf32, #tpu.memory_space<vmem>>, vector<1x1x16xf32>,
      } {sc.loop_unroll_factor = 1 : i64, sc.parallel_access}
      %slice3A_128 = vector.extract_strided_slice %get3A_108 {offsets = [4], sizes = [1], strides = [1]} : vector<16xi32> to vector<1xi32>
      %squeeze3A_129 = vector.extract %slice3A_128[0] : i32 from vector<1xi32>
      %slice3A_130 = vector.extract_strided_slice %get3A_108 {offsets = [5], sizes = [1], strides = [1]} : vector<16xi32> to vector<1xi32>
      %squeeze3A_131 = vector.extract %slice3A_130[0] : i32 from vector<1xi32>
      %slice3A_132 = vector.extract_strided_slice %get3A_108 {offsets = [6], sizes = [1], strides = [1]} : vector<16xi32> to vector<1xi32>
      %squeeze3A_133 = vector.extract %slice3A_132[0] : i32 from vector<1xi32>
      %slice3A_134 = vector.extract_strided_slice %get3A_108 {offsets = [7], sizes = [1], strides = [1]} : vector<16xi32> to vector<1xi32>
      %squeeze3A_135 = vector.extract %slice3A_134[0] : i32 from vector<1xi32>
      %slice3A_136 = vector.extract_strided_slice %get3A_111 {offsets = [4], sizes = [1], strides = [1]} : vector<16xi32> to vector<1xi32>
      %squeeze3A_137 = vector.extract %slice3A_136[0] : i32 from vector<1xi32>
      %slice3A_138 = vector.extract_strided_slice %get3A_111 {offsets = [5], sizes = [1], strides = [1]} : vector<16xi32> to vector<1xi32>
      %squeeze3A_139 = vector.extract %slice3A_138[0] : i32 from vector<1xi32>
      %slice3A_140 = vector.extract_strided_slice %get3A_111 {offsets = [6], sizes = [1], strides = [1]} : vector<16xi32> to vector<1xi32>
      %squeeze3A_141 = vector.extract %slice3A_140[0] : i32 from vector<1xi32>
      %slice3A_142 = vector.extract_strided_slice %get3A_111 {offsets = [7], sizes = [1], strides = [1]} : vector<16xi32> to vector<1xi32>
      %squeeze3A_143 = vector.extract %slice3A_142[0] : i32 from vector<1xi32>
      %parallel_loop3A_144 = arith.constant 0 : i32
      %parallel_loop3A_145 = arith.constant 48 : i32
      %parallel_loop3A_146 = arith.constant 1 : i32
      scf.for %parallel_loop3A_217 = %parallel_loop3A_144 to %parallel_loop3A_145 step %parallel_loop3A_146  : i32 {
        %parallel_loop3A_218 = arith.constant 16 : i32
        %parallel_loop3A_219 = arith.muli %parallel_loop3A_217, %parallel_loop3A_218 : i32
        %parallel_loop3A_220 = tpu.assume_multiple %parallel_loop3A_219, 16 : i32
        %parallel_loop3A_221 = arith.constant 4 : i32
        %parallel_loop3A_222 = arith.index_cast %rem3A_87 : i32 to index
        %parallel_loop3A_223 = arith.index_cast %parallel_loop3A_221 : i32 to index
        %parallel_loop3A_224 = arith.index_cast %parallel_loop3A_220 : i32 to index
        %parallel_loop3A_225 = tpu.vector_load %arg12[%parallel_loop3A_222, %parallel_loop3A_223, %parallel_loop3A_224] {strides = array<i32>} : memref<4x16x768xf32, #tpu.memory_space<vmem>>, vector<1x1x16xf32>,
        %parallel_loop3A_226 = vector.shape_cast %parallel_loop3A_225 : vector<1x1x16xf32> to vector<16xf32>
        %parallel_loop3A_227 = arith.index_cast %squeeze3A_129 : i32 to index
        %parallel_loop3A_228 = arith.index_cast %parallel_loop3A_220 : i32 to index
        %parallel_loop3A_229 = tpu.vector_load %arg10[%parallel_loop3A_227, %parallel_loop3A_228] {strides = array<i32>} : memref<24x768xf32, #tpu.memory_space<vmem>>, vector<1x16xf32>,
        %parallel_loop3A_230 = vector.shape_cast %parallel_loop3A_229 : vector<1x16xf32> to vector<16xf32>
        %parallel_loop3A_231 = arith.addf %parallel_loop3A_226, %parallel_loop3A_230 : vector<16xf32>
        %parallel_loop3A_232 = arith.index_cast %squeeze3A_137 : i32 to index
        %parallel_loop3A_233 = arith.index_cast %parallel_loop3A_220 : i32 to index
        %parallel_loop3A_234 = tpu.vector_load %arg11[%parallel_loop3A_232, %parallel_loop3A_233] {strides = array<i32>} : memref<7x768xf32, #tpu.memory_space<vmem>>, vector<1x16xf32>,
        %parallel_loop3A_235 = vector.shape_cast %parallel_loop3A_234 : vector<1x16xf32> to vector<16xf32>
        %parallel_loop3A_236 = arith.addf %parallel_loop3A_231, %parallel_loop3A_235 : vector<16xf32>
        %parallel_loop3A_237 = arith.constant 4 : i32
        %parallel_loop3A_238 = arith.index_cast %rem3A_87 : i32 to index
        %parallel_loop3A_239 = arith.index_cast %parallel_loop3A_237 : i32 to index
        %parallel_loop3A_240 = arith.index_cast %parallel_loop3A_220 : i32 to index
        %parallel_loop3A_241 = tpu.vector_load %arg12[%parallel_loop3A_238, %parallel_loop3A_239, %parallel_loop3A_240] {strides = array<i32>} : memref<4x16x768xf32, #tpu.memory_space<vmem>>, vector<1x1x16xf32>,
        %parallel_loop3A_242 = vector.shape_cast %parallel_loop3A_241 : vector<1x1x16xf32> to vector<16xf32>
        %parallel_loop3A_243 = vector.shape_cast %parallel_loop3A_236 : vector<16xf32> to vector<1x1x16xf32>
        tpu.vector_store %arg12[%parallel_loop3A_238, %parallel_loop3A_239, %parallel_loop3A_240], %parallel_loop3A_243 {strides = array<i32>} : memref<4x16x768xf32, #tpu.memory_space<vmem>>, vector<1x1x16xf32>,
        %parallel_loop3A_244 = arith.constant 5 : i32
        %parallel_loop3A_245 = arith.index_cast %rem3A_87 : i32 to index
        %parallel_loop3A_246 = arith.index_cast %parallel_loop3A_244 : i32 to index
        %parallel_loop3A_247 = arith.index_cast %parallel_loop3A_220 : i32 to index
        %parallel_loop3A_248 = tpu.vector_load %arg12[%parallel_loop3A_245, %parallel_loop3A_246, %parallel_loop3A_247] {strides = array<i32>} : memref<4x16x768xf32, #tpu.memory_space<vmem>>, vector<1x1x16xf32>,
        %parallel_loop3A_249 = vector.shape_cast %parallel_loop3A_248 : vector<1x1x16xf32> to vector<16xf32>
        %parallel_loop3A_250 = arith.index_cast %squeeze3A_131 : i32 to index
        %parallel_loop3A_251 = arith.index_cast %parallel_loop3A_220 : i32 to index
        %parallel_loop3A_252 = tpu.vector_load %arg10[%parallel_loop3A_250, %parallel_loop3A_251] {strides = array<i32>} : memref<24x768xf32, #tpu.memory_space<vmem>>, vector<1x16xf32>,
        %parallel_loop3A_253 = vector.shape_cast %parallel_loop3A_252 : vector<1x16xf32> to vector<16xf32>
        %parallel_loop3A_254 = arith.addf %parallel_loop3A_249, %parallel_loop3A_253 : vector<16xf32>
        %parallel_loop3A_255 = arith.index_cast %squeeze3A_139 : i32 to index
        %parallel_loop3A_256 = arith.index_cast %parallel_loop3A_220 : i32 to index
        %parallel_loop3A_257 = tpu.vector_load %arg11[%parallel_loop3A_255, %parallel_loop3A_256] {strides = array<i32>} : memref<7x768xf32, #tpu.memory_space<vmem>>, vector<1x16xf32>,
        %parallel_loop3A_258 = vector.shape_cast %parallel_loop3A_257 : vector<1x16xf32> to vector<16xf32>
        %parallel_loop3A_259 = arith.addf %parallel_loop3A_254, %parallel_loop3A_258 : vector<16xf32>
        %parallel_loop3A_260 = arith.constant 5 : i32
        %parallel_loop3A_261 = arith.index_cast %rem3A_87 : i32 to index
        %parallel_loop3A_262 = arith.index_cast %parallel_loop3A_260 : i32 to index
        %parallel_loop3A_263 = arith.index_cast %parallel_loop3A_220 : i32 to index
        %parallel_loop3A_264 = tpu.vector_load %arg12[%parallel_loop3A_261, %parallel_loop3A_262, %parallel_loop3A_263] {strides = array<i32>} : memref<4x16x768xf32, #tpu.memory_space<vmem>>, vector<1x1x16xf32>,
        %parallel_loop3A_265 = vector.shape_cast %parallel_loop3A_264 : vector<1x1x16xf32> to vector<16xf32>
        %parallel_loop3A_266 = vector.shape_cast %parallel_loop3A_259 : vector<16xf32> to vector<1x1x16xf32>
        tpu.vector_store %arg12[%parallel_loop3A_261, %parallel_loop3A_262, %parallel_loop3A_263], %parallel_loop3A_266 {strides = array<i32>} : memref<4x16x768xf32, #tpu.memory_space<vmem>>, vector<1x1x16xf32>,
        %parallel_loop3A_267 = arith.constant 6 : i32
        %parallel_loop3A_268 = arith.index_cast %rem3A_87 : i32 to index
        %parallel_loop3A_269 = arith.index_cast %parallel_loop3A_267 : i32 to index
        %parallel_loop3A_270 = arith.index_cast %parallel_loop3A_220 : i32 to index
        %parallel_loop3A_271 = tpu.vector_load %arg12[%parallel_loop3A_268, %parallel_loop3A_269, %parallel_loop3A_270] {strides = array<i32>} : memref<4x16x768xf32, #tpu.memory_space<vmem>>, vector<1x1x16xf32>,
        %parallel_loop3A_272 = vector.shape_cast %parallel_loop3A_271 : vector<1x1x16xf32> to vector<16xf32>
        %parallel_loop3A_273 = arith.index_cast %squeeze3A_133 : i32 to index
        %parallel_loop3A_274 = arith.index_cast %parallel_loop3A_220 : i32 to index
        %parallel_loop3A_275 = tpu.vector_load %arg10[%parallel_loop3A_273, %parallel_loop3A_274] {strides = array<i32>} : memref<24x768xf32, #tpu.memory_space<vmem>>, vector<1x16xf32>,
        %parallel_loop3A_276 = vector.shape_cast %parallel_loop3A_275 : vector<1x16xf32> to vector<16xf32>
        %parallel_loop3A_277 = arith.addf %parallel_loop3A_272, %parallel_loop3A_276 : vector<16xf32>
        %parallel_loop3A_278 = arith.index_cast %squeeze3A_141 : i32 to index
        %parallel_loop3A_279 = arith.index_cast %parallel_loop3A_220 : i32 to index
        %parallel_loop3A_280 = tpu.vector_load %arg11[%parallel_loop3A_278, %parallel_loop3A_279] {strides = array<i32>} : memref<7x768xf32, #tpu.memory_space<vmem>>, vector<1x16xf32>,
        %parallel_loop3A_281 = vector.shape_cast %parallel_loop3A_280 : vector<1x16xf32> to vector<16xf32>
        %parallel_loop3A_282 = arith.addf %parallel_loop3A_277, %parallel_loop3A_281 : vector<16xf32>
        %parallel_loop3A_283 = arith.constant 6 : i32
        %parallel_loop3A_284 = arith.index_cast %rem3A_87 : i32 to index
        %parallel_loop3A_285 = arith.index_cast %parallel_loop3A_283 : i32 to index
        %parallel_loop3A_286 = arith.index_cast %parallel_loop3A_220 : i32 to index
        %parallel_loop3A_287 = tpu.vector_load %arg12[%parallel_loop3A_284, %parallel_loop3A_285, %parallel_loop3A_286] {strides = array<i32>} : memref<4x16x768xf32, #tpu.memory_space<vmem>>, vector<1x1x16xf32>,
        %parallel_loop3A_288 = vector.shape_cast %parallel_loop3A_287 : vector<1x1x16xf32> to vector<16xf32>
        %parallel_loop3A_289 = vector.shape_cast %parallel_loop3A_282 : vector<16xf32> to vector<1x1x16xf32>
        tpu.vector_store %arg12[%parallel_loop3A_284, %parallel_loop3A_285, %parallel_loop3A_286], %parallel_loop3A_289 {strides = array<i32>} : memref<4x16x768xf32, #tpu.memory_space<vmem>>, vector<1x1x16xf32>,
        %parallel_loop3A_290 = arith.constant 7 : i32
        %parallel_loop3A_291 = arith.index_cast %rem3A_87 : i32 to index
        %parallel_loop3A_292 = arith.index_cast %parallel_loop3A_290 : i32 to index
        %parallel_loop3A_293 = arith.index_cast %parallel_loop3A_220 : i32 to index
        %parallel_loop3A_294 = tpu.vector_load %arg12[%parallel_loop3A_291, %parallel_loop3A_292, %parallel_loop3A_293] {strides = array<i32>} : memref<4x16x768xf32, #tpu.memory_space<vmem>>, vector<1x1x16xf32>,
        %parallel_loop3A_295 = vector.shape_cast %parallel_loop3A_294 : vector<1x1x16xf32> to vector<16xf32>
        %parallel_loop3A_296 = arith.index_cast %squeeze3A_135 : i32 to index
        %parallel_loop3A_297 = arith.index_cast %parallel_loop3A_220 : i32 to index
        %parallel_loop3A_298 = tpu.vector_load %arg10[%parallel_loop3A_296, %parallel_loop3A_297] {strides = array<i32>} : memref<24x768xf32, #tpu.memory_space<vmem>>, vector<1x16xf32>,
        %parallel_loop3A_299 = vector.shape_cast %parallel_loop3A_298 : vector<1x16xf32> to vector<16xf32>
        %parallel_loop3A_300 = arith.addf %parallel_loop3A_295, %parallel_loop3A_299 : vector<16xf32>
        %parallel_loop3A_301 = arith.index_cast %squeeze3A_143 : i32 to index
        %parallel_loop3A_302 = arith.index_cast %parallel_loop3A_220 : i32 to index
        %parallel_loop3A_303 = tpu.vector_load %arg11[%parallel_loop3A_301, %parallel_loop3A_302] {strides = array<i32>} : memref<7x768xf32, #tpu.memory_space<vmem>>, vector<1x16xf32>,
        %parallel_loop3A_304 = vector.shape_cast %parallel_loop3A_303 : vector<1x16xf32> to vector<16xf32>
        %parallel_loop3A_305 = arith.addf %parallel_loop3A_300, %parallel_loop3A_304 : vector<16xf32>
        %parallel_loop3A_306 = arith.constant 7 : i32
        %parallel_loop3A_307 = arith.index_cast %rem3A_87 : i32 to index
        %parallel_loop3A_308 = arith.index_cast %parallel_loop3A_306 : i32 to index
        %parallel_loop3A_309 = arith.index_cast %parallel_loop3A_220 : i32 to index
        %parallel_loop3A_310 = tpu.vector_load %arg12[%parallel_loop3A_307, %parallel_loop3A_308, %parallel_loop3A_309] {strides = array<i32>} : memref<4x16x768xf32, #tpu.memory_space<vmem>>, vector<1x1x16xf32>,
        %parallel_loop3A_311 = vector.shape_cast %parallel_loop3A_310 : vector<1x1x16xf32> to vector<16xf32>
        %parallel_loop3A_312 = vector.shape_cast %parallel_loop3A_305 : vector<16xf32> to vector<1x1x16xf32>
        tpu.vector_store %arg12[%parallel_loop3A_307, %parallel_loop3A_308, %parallel_loop3A_309], %parallel_loop3A_312 {strides = array<i32>} : memref<4x16x768xf32, #tpu.memory_space<vmem>>, vector<1x1x16xf32>,
      } {sc.loop_unroll_factor = 1 : i64, sc.parallel_access}
      %slice3A_147 = vector.extract_strided_slice %get3A_108 {offsets = [8], sizes = [1], strides = [1]} : vector<16xi32> to vector<1xi32>
      %squeeze3A_148 = vector.extract %slice3A_147[0] : i32 from vector<1xi32>
      %slice3A_149 = vector.extract_strided_slice %get3A_108 {offsets = [9], sizes = [1], strides = [1]} : vector<16xi32> to vector<1xi32>
      %squeeze3A_150 = vector.extract %slice3A_149[0] : i32 from vector<1xi32>
      %slice3A_151 = vector.extract_strided_slice %get3A_108 {offsets = [10], sizes = [1], strides = [1]} : vector<16xi32> to vector<1xi32>
      %squeeze3A_152 = vector.extract %slice3A_151[0] : i32 from vector<1xi32>
      %slice3A_153 = vector.extract_strided_slice %get3A_108 {offsets = [11], sizes = [1], strides = [1]} : vector<16xi32> to vector<1xi32>
      %squeeze3A_154 = vector.extract %slice3A_153[0] : i32 from vector<1xi32>
      %slice3A_155 = vector.extract_strided_slice %get3A_111 {offsets = [8], sizes = [1], strides = [1]} : vector<16xi32> to vector<1xi32>
      %squeeze3A_156 = vector.extract %slice3A_155[0] : i32 from vector<1xi32>
      %slice3A_157 = vector.extract_strided_slice %get3A_111 {offsets = [9], sizes = [1], strides = [1]} : vector<16xi32> to vector<1xi32>
      %squeeze3A_158 = vector.extract %slice3A_157[0] : i32 from vector<1xi32>
      %slice3A_159 = vector.extract_strided_slice %get3A_111 {offsets = [10], sizes = [1], strides = [1]} : vector<16xi32> to vector<1xi32>
      %squeeze3A_160 = vector.extract %slice3A_159[0] : i32 from vector<1xi32>
      %slice3A_161 = vector.extract_strided_slice %get3A_111 {offsets = [11], sizes = [1], strides = [1]} : vector<16xi32> to vector<1xi32>
      %squeeze3A_162 = vector.extract %slice3A_161[0] : i32 from vector<1xi32>
      %parallel_loop3A_163 = arith.constant 0 : i32
      %parallel_loop3A_164 = arith.constant 48 : i32
      %parallel_loop3A_165 = arith.constant 1 : i32
      scf.for %parallel_loop3A_217 = %parallel_loop3A_163 to %parallel_loop3A_164 step %parallel_loop3A_165  : i32 {
        %parallel_loop3A_218 = arith.constant 16 : i32
        %parallel_loop3A_219 = arith.muli %parallel_loop3A_217, %parallel_loop3A_218 : i32
        %parallel_loop3A_220 = tpu.assume_multiple %parallel_loop3A_219, 16 : i32
        %parallel_loop3A_221 = arith.constant 8 : i32
        %parallel_loop3A_222 = arith.index_cast %rem3A_87 : i32 to index
        %parallel_loop3A_223 = arith.index_cast %parallel_loop3A_221 : i32 to index
        %parallel_loop3A_224 = arith.index_cast %parallel_loop3A_220 : i32 to index
        %parallel_loop3A_225 = tpu.vector_load %arg12[%parallel_loop3A_222, %parallel_loop3A_223, %parallel_loop3A_224] {strides = array<i32>} : memref<4x16x768xf32, #tpu.memory_space<vmem>>, vector<1x1x16xf32>,
        %parallel_loop3A_226 = vector.shape_cast %parallel_loop3A_225 : vector<1x1x16xf32> to vector<16xf32>
        %parallel_loop3A_227 = arith.index_cast %squeeze3A_148 : i32 to index
        %parallel_loop3A_228 = arith.index_cast %parallel_loop3A_220 : i32 to index
        %parallel_loop3A_229 = tpu.vector_load %arg10[%parallel_loop3A_227, %parallel_loop3A_228] {strides = array<i32>} : memref<24x768xf32, #tpu.memory_space<vmem>>, vector<1x16xf32>,
        %parallel_loop3A_230 = vector.shape_cast %parallel_loop3A_229 : vector<1x16xf32> to vector<16xf32>
        %parallel_loop3A_231 = arith.addf %parallel_loop3A_226, %parallel_loop3A_230 : vector<16xf32>
        %parallel_loop3A_232 = arith.index_cast %squeeze3A_156 : i32 to index
        %parallel_loop3A_233 = arith.index_cast %parallel_loop3A_220 : i32 to index
        %parallel_loop3A_234 = tpu.vector_load %arg11[%parallel_loop3A_232, %parallel_loop3A_233] {strides = array<i32>} : memref<7x768xf32, #tpu.memory_space<vmem>>, vector<1x16xf32>,
        %parallel_loop3A_235 = vector.shape_cast %parallel_loop3A_234 : vector<1x16xf32> to vector<16xf32>
        %parallel_loop3A_236 = arith.addf %parallel_loop3A_231, %parallel_loop3A_235 : vector<16xf32>
        %parallel_loop3A_237 = arith.constant 8 : i32
        %parallel_loop3A_238 = arith.index_cast %rem3A_87 : i32 to index
        %parallel_loop3A_239 = arith.index_cast %parallel_loop3A_237 : i32 to index
        %parallel_loop3A_240 = arith.index_cast %parallel_loop3A_220 : i32 to index
        %parallel_loop3A_241 = tpu.vector_load %arg12[%parallel_loop3A_238, %parallel_loop3A_239, %parallel_loop3A_240] {strides = array<i32>} : memref<4x16x768xf32, #tpu.memory_space<vmem>>, vector<1x1x16xf32>,
        %parallel_loop3A_242 = vector.shape_cast %parallel_loop3A_241 : vector<1x1x16xf32> to vector<16xf32>
        %parallel_loop3A_243 = vector.shape_cast %parallel_loop3A_236 : vector<16xf32> to vector<1x1x16xf32>
        tpu.vector_store %arg12[%parallel_loop3A_238, %parallel_loop3A_239, %parallel_loop3A_240], %parallel_loop3A_243 {strides = array<i32>} : memref<4x16x768xf32, #tpu.memory_space<vmem>>, vector<1x1x16xf32>,
        %parallel_loop3A_244 = arith.constant 9 : i32
        %parallel_loop3A_245 = arith.index_cast %rem3A_87 : i32 to index
        %parallel_loop3A_246 = arith.index_cast %parallel_loop3A_244 : i32 to index
        %parallel_loop3A_247 = arith.index_cast %parallel_loop3A_220 : i32 to index
        %parallel_loop3A_248 = tpu.vector_load %arg12[%parallel_loop3A_245, %parallel_loop3A_246, %parallel_loop3A_247] {strides = array<i32>} : memref<4x16x768xf32, #tpu.memory_space<vmem>>, vector<1x1x16xf32>,
        %parallel_loop3A_249 = vector.shape_cast %parallel_loop3A_248 : vector<1x1x16xf32> to vector<16xf32>
        %parallel_loop3A_250 = arith.index_cast %squeeze3A_150 : i32 to index
        %parallel_loop3A_251 = arith.index_cast %parallel_loop3A_220 : i32 to index
        %parallel_loop3A_252 = tpu.vector_load %arg10[%parallel_loop3A_250, %parallel_loop3A_251] {strides = array<i32>} : memref<24x768xf32, #tpu.memory_space<vmem>>, vector<1x16xf32>,
        %parallel_loop3A_253 = vector.shape_cast %parallel_loop3A_252 : vector<1x16xf32> to vector<16xf32>
        %parallel_loop3A_254 = arith.addf %parallel_loop3A_249, %parallel_loop3A_253 : vector<16xf32>
        %parallel_loop3A_255 = arith.index_cast %squeeze3A_158 : i32 to index
        %parallel_loop3A_256 = arith.index_cast %parallel_loop3A_220 : i32 to index
        %parallel_loop3A_257 = tpu.vector_load %arg11[%parallel_loop3A_255, %parallel_loop3A_256] {strides = array<i32>} : memref<7x768xf32, #tpu.memory_space<vmem>>, vector<1x16xf32>,
        %parallel_loop3A_258 = vector.shape_cast %parallel_loop3A_257 : vector<1x16xf32> to vector<16xf32>
        %parallel_loop3A_259 = arith.addf %parallel_loop3A_254, %parallel_loop3A_258 : vector<16xf32>
        %parallel_loop3A_260 = arith.constant 9 : i32
        %parallel_loop3A_261 = arith.index_cast %rem3A_87 : i32 to index
        %parallel_loop3A_262 = arith.index_cast %parallel_loop3A_260 : i32 to index
        %parallel_loop3A_263 = arith.index_cast %parallel_loop3A_220 : i32 to index
        %parallel_loop3A_264 = tpu.vector_load %arg12[%parallel_loop3A_261, %parallel_loop3A_262, %parallel_loop3A_263] {strides = array<i32>} : memref<4x16x768xf32, #tpu.memory_space<vmem>>, vector<1x1x16xf32>,
        %parallel_loop3A_265 = vector.shape_cast %parallel_loop3A_264 : vector<1x1x16xf32> to vector<16xf32>
        %parallel_loop3A_266 = vector.shape_cast %parallel_loop3A_259 : vector<16xf32> to vector<1x1x16xf32>
        tpu.vector_store %arg12[%parallel_loop3A_261, %parallel_loop3A_262, %parallel_loop3A_263], %parallel_loop3A_266 {strides = array<i32>} : memref<4x16x768xf32, #tpu.memory_space<vmem>>, vector<1x1x16xf32>,
        %parallel_loop3A_267 = arith.constant 10 : i32
        %parallel_loop3A_268 = arith.index_cast %rem3A_87 : i32 to index
        %parallel_loop3A_269 = arith.index_cast %parallel_loop3A_267 : i32 to index
        %parallel_loop3A_270 = arith.index_cast %parallel_loop3A_220 : i32 to index
        %parallel_loop3A_271 = tpu.vector_load %arg12[%parallel_loop3A_268, %parallel_loop3A_269, %parallel_loop3A_270] {strides = array<i32>} : memref<4x16x768xf32, #tpu.memory_space<vmem>>, vector<1x1x16xf32>,
        %parallel_loop3A_272 = vector.shape_cast %parallel_loop3A_271 : vector<1x1x16xf32> to vector<16xf32>
        %parallel_loop3A_273 = arith.index_cast %squeeze3A_152 : i32 to index
        %parallel_loop3A_274 = arith.index_cast %parallel_loop3A_220 : i32 to index
        %parallel_loop3A_275 = tpu.vector_load %arg10[%parallel_loop3A_273, %parallel_loop3A_274] {strides = array<i32>} : memref<24x768xf32, #tpu.memory_space<vmem>>, vector<1x16xf32>,
        %parallel_loop3A_276 = vector.shape_cast %parallel_loop3A_275 : vector<1x16xf32> to vector<16xf32>
        %parallel_loop3A_277 = arith.addf %parallel_loop3A_272, %parallel_loop3A_276 : vector<16xf32>
        %parallel_loop3A_278 = arith.index_cast %squeeze3A_160 : i32 to index
        %parallel_loop3A_279 = arith.index_cast %parallel_loop3A_220 : i32 to index
        %parallel_loop3A_280 = tpu.vector_load %arg11[%parallel_loop3A_278, %parallel_loop3A_279] {strides = array<i32>} : memref<7x768xf32, #tpu.memory_space<vmem>>, vector<1x16xf32>,
        %parallel_loop3A_281 = vector.shape_cast %parallel_loop3A_280 : vector<1x16xf32> to vector<16xf32>
        %parallel_loop3A_282 = arith.addf %parallel_loop3A_277, %parallel_loop3A_281 : vector<16xf32>
        %parallel_loop3A_283 = arith.constant 10 : i32
        %parallel_loop3A_284 = arith.index_cast %rem3A_87 : i32 to index
        %parallel_loop3A_285 = arith.index_cast %parallel_loop3A_283 : i32 to index
        %parallel_loop3A_286 = arith.index_cast %parallel_loop3A_220 : i32 to index
        %parallel_loop3A_287 = tpu.vector_load %arg12[%parallel_loop3A_284, %parallel_loop3A_285, %parallel_loop3A_286] {strides = array<i32>} : memref<4x16x768xf32, #tpu.memory_space<vmem>>, vector<1x1x16xf32>,
        %parallel_loop3A_288 = vector.shape_cast %parallel_loop3A_287 : vector<1x1x16xf32> to vector<16xf32>
        %parallel_loop3A_289 = vector.shape_cast %parallel_loop3A_282 : vector<16xf32> to vector<1x1x16xf32>
        tpu.vector_store %arg12[%parallel_loop3A_284, %parallel_loop3A_285, %parallel_loop3A_286], %parallel_loop3A_289 {strides = array<i32>} : memref<4x16x768xf32, #tpu.memory_space<vmem>>, vector<1x1x16xf32>,
        %parallel_loop3A_290 = arith.constant 11 : i32
        %parallel_loop3A_291 = arith.index_cast %rem3A_87 : i32 to index
        %parallel_loop3A_292 = arith.index_cast %parallel_loop3A_290 : i32 to index
        %parallel_loop3A_293 = arith.index_cast %parallel_loop3A_220 : i32 to index
        %parallel_loop3A_294 = tpu.vector_load %arg12[%parallel_loop3A_291, %parallel_loop3A_292, %parallel_loop3A_293] {strides = array<i32>} : memref<4x16x768xf32, #tpu.memory_space<vmem>>, vector<1x1x16xf32>,
        %parallel_loop3A_295 = vector.shape_cast %parallel_loop3A_294 : vector<1x1x16xf32> to vector<16xf32>
        %parallel_loop3A_296 = arith.index_cast %squeeze3A_154 : i32 to index
        %parallel_loop3A_297 = arith.index_cast %parallel_loop3A_220 : i32 to index
        %parallel_loop3A_298 = tpu.vector_load %arg10[%parallel_loop3A_296, %parallel_loop3A_297] {strides = array<i32>} : memref<24x768xf32, #tpu.memory_space<vmem>>, vector<1x16xf32>,
        %parallel_loop3A_299 = vector.shape_cast %parallel_loop3A_298 : vector<1x16xf32> to vector<16xf32>
        %parallel_loop3A_300 = arith.addf %parallel_loop3A_295, %parallel_loop3A_299 : vector<16xf32>
        %parallel_loop3A_301 = arith.index_cast %squeeze3A_162 : i32 to index
        %parallel_loop3A_302 = arith.index_cast %parallel_loop3A_220 : i32 to index
        %parallel_loop3A_303 = tpu.vector_load %arg11[%parallel_loop3A_301, %parallel_loop3A_302] {strides = array<i32>} : memref<7x768xf32, #tpu.memory_space<vmem>>, vector<1x16xf32>,
        %parallel_loop3A_304 = vector.shape_cast %parallel_loop3A_303 : vector<1x16xf32> to vector<16xf32>
        %parallel_loop3A_305 = arith.addf %parallel_loop3A_300, %parallel_loop3A_304 : vector<16xf32>
        %parallel_loop3A_306 = arith.constant 11 : i32
        %parallel_loop3A_307 = arith.index_cast %rem3A_87 : i32 to index
        %parallel_loop3A_308 = arith.index_cast %parallel_loop3A_306 : i32 to index
        %parallel_loop3A_309 = arith.index_cast %parallel_loop3A_220 : i32 to index
        %parallel_loop3A_310 = tpu.vector_load %arg12[%parallel_loop3A_307, %parallel_loop3A_308, %parallel_loop3A_309] {strides = array<i32>} : memref<4x16x768xf32, #tpu.memory_space<vmem>>, vector<1x1x16xf32>,
        %parallel_loop3A_311 = vector.shape_cast %parallel_loop3A_310 : vector<1x1x16xf32> to vector<16xf32>
        %parallel_loop3A_312 = vector.shape_cast %parallel_loop3A_305 : vector<16xf32> to vector<1x1x16xf32>
        tpu.vector_store %arg12[%parallel_loop3A_307, %parallel_loop3A_308, %parallel_loop3A_309], %parallel_loop3A_312 {strides = array<i32>} : memref<4x16x768xf32, #tpu.memory_space<vmem>>, vector<1x1x16xf32>,
      } {sc.loop_unroll_factor = 1 : i64, sc.parallel_access}
      %slice3A_166 = vector.extract_strided_slice %get3A_108 {offsets = [12], sizes = [1], strides = [1]} : vector<16xi32> to vector<1xi32>
      %squeeze3A_167 = vector.extract %slice3A_166[0] : i32 from vector<1xi32>
      %slice3A_168 = vector.extract_strided_slice %get3A_108 {offsets = [13], sizes = [1], strides = [1]} : vector<16xi32> to vector<1xi32>
      %squeeze3A_169 = vector.extract %slice3A_168[0] : i32 from vector<1xi32>
      %slice3A_170 = vector.extract_strided_slice %get3A_108 {offsets = [14], sizes = [1], strides = [1]} : vector<16xi32> to vector<1xi32>
      %squeeze3A_171 = vector.extract %slice3A_170[0] : i32 from vector<1xi32>
      %slice3A_172 = vector.extract_strided_slice %get3A_108 {offsets = [15], sizes = [1], strides = [1]} : vector<16xi32> to vector<1xi32>
      %squeeze3A_173 = vector.extract %slice3A_172[0] : i32 from vector<1xi32>
      %slice3A_174 = vector.extract_strided_slice %get3A_111 {offsets = [12], sizes = [1], strides = [1]} : vector<16xi32> to vector<1xi32>
      %squeeze3A_175 = vector.extract %slice3A_174[0] : i32 from vector<1xi32>
      %slice3A_176 = vector.extract_strided_slice %get3A_111 {offsets = [13], sizes = [1], strides = [1]} : vector<16xi32> to vector<1xi32>
      %squeeze3A_177 = vector.extract %slice3A_176[0] : i32 from vector<1xi32>
      %slice3A_178 = vector.extract_strided_slice %get3A_111 {offsets = [14], sizes = [1], strides = [1]} : vector<16xi32> to vector<1xi32>
      %squeeze3A_179 = vector.extract %slice3A_178[0] : i32 from vector<1xi32>
      %slice3A_180 = vector.extract_strided_slice %get3A_111 {offsets = [15], sizes = [1], strides = [1]} : vector<16xi32> to vector<1xi32>
      %squeeze3A_181 = vector.extract %slice3A_180[0] : i32 from vector<1xi32>
      %parallel_loop3A_182 = arith.constant 0 : i32
      %parallel_loop3A_183 = arith.constant 48 : i32
      %parallel_loop3A_184 = arith.constant 1 : i32
      scf.for %parallel_loop3A_217 = %parallel_loop3A_182 to %parallel_loop3A_183 step %parallel_loop3A_184  : i32 {
        %parallel_loop3A_218 = arith.constant 16 : i32
        %parallel_loop3A_219 = arith.muli %parallel_loop3A_217, %parallel_loop3A_218 : i32
        %parallel_loop3A_220 = tpu.assume_multiple %parallel_loop3A_219, 16 : i32
        %parallel_loop3A_221 = arith.constant 12 : i32
        %parallel_loop3A_222 = arith.index_cast %rem3A_87 : i32 to index
        %parallel_loop3A_223 = arith.index_cast %parallel_loop3A_221 : i32 to index
        %parallel_loop3A_224 = arith.index_cast %parallel_loop3A_220 : i32 to index
        %parallel_loop3A_225 = tpu.vector_load %arg12[%parallel_loop3A_222, %parallel_loop3A_223, %parallel_loop3A_224] {strides = array<i32>} : memref<4x16x768xf32, #tpu.memory_space<vmem>>, vector<1x1x16xf32>,
        %parallel_loop3A_226 = vector.shape_cast %parallel_loop3A_225 : vector<1x1x16xf32> to vector<16xf32>
        %parallel_loop3A_227 = arith.index_cast %squeeze3A_167 : i32 to index
        %parallel_loop3A_228 = arith.index_cast %parallel_loop3A_220 : i32 to index
        %parallel_loop3A_229 = tpu.vector_load %arg10[%parallel_loop3A_227, %parallel_loop3A_228] {strides = array<i32>} : memref<24x768xf32, #tpu.memory_space<vmem>>, vector<1x16xf32>,
        %parallel_loop3A_230 = vector.shape_cast %parallel_loop3A_229 : vector<1x16xf32> to vector<16xf32>
        %parallel_loop3A_231 = arith.addf %parallel_loop3A_226, %parallel_loop3A_230 : vector<16xf32>
        %parallel_loop3A_232 = arith.index_cast %squeeze3A_175 : i32 to index
        %parallel_loop3A_233 = arith.index_cast %parallel_loop3A_220 : i32 to index
        %parallel_loop3A_234 = tpu.vector_load %arg11[%parallel_loop3A_232, %parallel_loop3A_233] {strides = array<i32>} : memref<7x768xf32, #tpu.memory_space<vmem>>, vector<1x16xf32>,
        %parallel_loop3A_235 = vector.shape_cast %parallel_loop3A_234 : vector<1x16xf32> to vector<16xf32>
        %parallel_loop3A_236 = arith.addf %parallel_loop3A_231, %parallel_loop3A_235 : vector<16xf32>
        %parallel_loop3A_237 = arith.constant 12 : i32
        %parallel_loop3A_238 = arith.index_cast %rem3A_87 : i32 to index
        %parallel_loop3A_239 = arith.index_cast %parallel_loop3A_237 : i32 to index
        %parallel_loop3A_240 = arith.index_cast %parallel_loop3A_220 : i32 to index
        %parallel_loop3A_241 = tpu.vector_load %arg12[%parallel_loop3A_238, %parallel_loop3A_239, %parallel_loop3A_240] {strides = array<i32>} : memref<4x16x768xf32, #tpu.memory_space<vmem>>, vector<1x1x16xf32>,
        %parallel_loop3A_242 = vector.shape_cast %parallel_loop3A_241 : vector<1x1x16xf32> to vector<16xf32>
        %parallel_loop3A_243 = vector.shape_cast %parallel_loop3A_236 : vector<16xf32> to vector<1x1x16xf32>
        tpu.vector_store %arg12[%parallel_loop3A_238, %parallel_loop3A_239, %parallel_loop3A_240], %parallel_loop3A_243 {strides = array<i32>} : memref<4x16x768xf32, #tpu.memory_space<vmem>>, vector<1x1x16xf32>,
        %parallel_loop3A_244 = arith.constant 13 : i32
        %parallel_loop3A_245 = arith.index_cast %rem3A_87 : i32 to index
        %parallel_loop3A_246 = arith.index_cast %parallel_loop3A_244 : i32 to index
        %parallel_loop3A_247 = arith.index_cast %parallel_loop3A_220 : i32 to index
        %parallel_loop3A_248 = tpu.vector_load %arg12[%parallel_loop3A_245, %parallel_loop3A_246, %parallel_loop3A_247] {strides = array<i32>} : memref<4x16x768xf32, #tpu.memory_space<vmem>>, vector<1x1x16xf32>,
        %parallel_loop3A_249 = vector.shape_cast %parallel_loop3A_248 : vector<1x1x16xf32> to vector<16xf32>
        %parallel_loop3A_250 = arith.index_cast %squeeze3A_169 : i32 to index
        %parallel_loop3A_251 = arith.index_cast %parallel_loop3A_220 : i32 to index
        %parallel_loop3A_252 = tpu.vector_load %arg10[%parallel_loop3A_250, %parallel_loop3A_251] {strides = array<i32>} : memref<24x768xf32, #tpu.memory_space<vmem>>, vector<1x16xf32>,
        %parallel_loop3A_253 = vector.shape_cast %parallel_loop3A_252 : vector<1x16xf32> to vector<16xf32>
        %parallel_loop3A_254 = arith.addf %parallel_loop3A_249, %parallel_loop3A_253 : vector<16xf32>
        %parallel_loop3A_255 = arith.index_cast %squeeze3A_177 : i32 to index
        %parallel_loop3A_256 = arith.index_cast %parallel_loop3A_220 : i32 to index
        %parallel_loop3A_257 = tpu.vector_load %arg11[%parallel_loop3A_255, %parallel_loop3A_256] {strides = array<i32>} : memref<7x768xf32, #tpu.memory_space<vmem>>, vector<1x16xf32>,
        %parallel_loop3A_258 = vector.shape_cast %parallel_loop3A_257 : vector<1x16xf32> to vector<16xf32>
        %parallel_loop3A_259 = arith.addf %parallel_loop3A_254, %parallel_loop3A_258 : vector<16xf32>
        %parallel_loop3A_260 = arith.constant 13 : i32
        %parallel_loop3A_261 = arith.index_cast %rem3A_87 : i32 to index
        %parallel_loop3A_262 = arith.index_cast %parallel_loop3A_260 : i32 to index
        %parallel_loop3A_263 = arith.index_cast %parallel_loop3A_220 : i32 to index
        %parallel_loop3A_264 = tpu.vector_load %arg12[%parallel_loop3A_261, %parallel_loop3A_262, %parallel_loop3A_263] {strides = array<i32>} : memref<4x16x768xf32, #tpu.memory_space<vmem>>, vector<1x1x16xf32>,
        %parallel_loop3A_265 = vector.shape_cast %parallel_loop3A_264 : vector<1x1x16xf32> to vector<16xf32>
        %parallel_loop3A_266 = vector.shape_cast %parallel_loop3A_259 : vector<16xf32> to vector<1x1x16xf32>
        tpu.vector_store %arg12[%parallel_loop3A_261, %parallel_loop3A_262, %parallel_loop3A_263], %parallel_loop3A_266 {strides = array<i32>} : memref<4x16x768xf32, #tpu.memory_space<vmem>>, vector<1x1x16xf32>,
        %parallel_loop3A_267 = arith.constant 14 : i32
        %parallel_loop3A_268 = arith.index_cast %rem3A_87 : i32 to index
        %parallel_loop3A_269 = arith.index_cast %parallel_loop3A_267 : i32 to index
        %parallel_loop3A_270 = arith.index_cast %parallel_loop3A_220 : i32 to index
        %parallel_loop3A_271 = tpu.vector_load %arg12[%parallel_loop3A_268, %parallel_loop3A_269, %parallel_loop3A_270] {strides = array<i32>} : memref<4x16x768xf32, #tpu.memory_space<vmem>>, vector<1x1x16xf32>,
        %parallel_loop3A_272 = vector.shape_cast %parallel_loop3A_271 : vector<1x1x16xf32> to vector<16xf32>
        %parallel_loop3A_273 = arith.index_cast %squeeze3A_171 : i32 to index
        %parallel_loop3A_274 = arith.index_cast %parallel_loop3A_220 : i32 to index
        %parallel_loop3A_275 = tpu.vector_load %arg10[%parallel_loop3A_273, %parallel_loop3A_274] {strides = array<i32>} : memref<24x768xf32, #tpu.memory_space<vmem>>, vector<1x16xf32>,
        %parallel_loop3A_276 = vector.shape_cast %parallel_loop3A_275 : vector<1x16xf32> to vector<16xf32>
        %parallel_loop3A_277 = arith.addf %parallel_loop3A_272, %parallel_loop3A_276 : vector<16xf32>
        %parallel_loop3A_278 = arith.index_cast %squeeze3A_179 : i32 to index
        %parallel_loop3A_279 = arith.index_cast %parallel_loop3A_220 : i32 to index
        %parallel_loop3A_280 = tpu.vector_load %arg11[%parallel_loop3A_278, %parallel_loop3A_279] {strides = array<i32>} : memref<7x768xf32, #tpu.memory_space<vmem>>, vector<1x16xf32>,
        %parallel_loop3A_281 = vector.shape_cast %parallel_loop3A_280 : vector<1x16xf32> to vector<16xf32>
        %parallel_loop3A_282 = arith.addf %parallel_loop3A_277, %parallel_loop3A_281 : vector<16xf32>
        %parallel_loop3A_283 = arith.constant 14 : i32
        %parallel_loop3A_284 = arith.index_cast %rem3A_87 : i32 to index
        %parallel_loop3A_285 = arith.index_cast %parallel_loop3A_283 : i32 to index
        %parallel_loop3A_286 = arith.index_cast %parallel_loop3A_220 : i32 to index
        %parallel_loop3A_287 = tpu.vector_load %arg12[%parallel_loop3A_284, %parallel_loop3A_285, %parallel_loop3A_286] {strides = array<i32>} : memref<4x16x768xf32, #tpu.memory_space<vmem>>, vector<1x1x16xf32>,
        %parallel_loop3A_288 = vector.shape_cast %parallel_loop3A_287 : vector<1x1x16xf32> to vector<16xf32>
        %parallel_loop3A_289 = vector.shape_cast %parallel_loop3A_282 : vector<16xf32> to vector<1x1x16xf32>
        tpu.vector_store %arg12[%parallel_loop3A_284, %parallel_loop3A_285, %parallel_loop3A_286], %parallel_loop3A_289 {strides = array<i32>} : memref<4x16x768xf32, #tpu.memory_space<vmem>>, vector<1x1x16xf32>,
        %parallel_loop3A_290 = arith.constant 15 : i32
        %parallel_loop3A_291 = arith.index_cast %rem3A_87 : i32 to index
        %parallel_loop3A_292 = arith.index_cast %parallel_loop3A_290 : i32 to index
        %parallel_loop3A_293 = arith.index_cast %parallel_loop3A_220 : i32 to index
        %parallel_loop3A_294 = tpu.vector_load %arg12[%parallel_loop3A_291, %parallel_loop3A_292, %parallel_loop3A_293] {strides = array<i32>} : memref<4x16x768xf32, #tpu.memory_space<vmem>>, vector<1x1x16xf32>,
        %parallel_loop3A_295 = vector.shape_cast %parallel_loop3A_294 : vector<1x1x16xf32> to vector<16xf32>
        %parallel_loop3A_296 = arith.index_cast %squeeze3A_173 : i32 to index
        %parallel_loop3A_297 = arith.index_cast %parallel_loop3A_220 : i32 to index
        %parallel_loop3A_298 = tpu.vector_load %arg10[%parallel_loop3A_296, %parallel_loop3A_297] {strides = array<i32>} : memref<24x768xf32, #tpu.memory_space<vmem>>, vector<1x16xf32>,
        %parallel_loop3A_299 = vector.shape_cast %parallel_loop3A_298 : vector<1x16xf32> to vector<16xf32>
        %parallel_loop3A_300 = arith.addf %parallel_loop3A_295, %parallel_loop3A_299 : vector<16xf32>
        %parallel_loop3A_301 = arith.index_cast %squeeze3A_181 : i32 to index
        %parallel_loop3A_302 = arith.index_cast %parallel_loop3A_220 : i32 to index
        %parallel_loop3A_303 = tpu.vector_load %arg11[%parallel_loop3A_301, %parallel_loop3A_302] {strides = array<i32>} : memref<7x768xf32, #tpu.memory_space<vmem>>, vector<1x16xf32>,
        %parallel_loop3A_304 = vector.shape_cast %parallel_loop3A_303 : vector<1x16xf32> to vector<16xf32>
        %parallel_loop3A_305 = arith.addf %parallel_loop3A_300, %parallel_loop3A_304 : vector<16xf32>
        %parallel_loop3A_306 = arith.constant 15 : i32
        %parallel_loop3A_307 = arith.index_cast %rem3A_87 : i32 to index
        %parallel_loop3A_308 = arith.index_cast %parallel_loop3A_306 : i32 to index
        %parallel_loop3A_309 = arith.index_cast %parallel_loop3A_220 : i32 to index
        %parallel_loop3A_310 = tpu.vector_load %arg12[%parallel_loop3A_307, %parallel_loop3A_308, %parallel_loop3A_309] {strides = array<i32>} : memref<4x16x768xf32, #tpu.memory_space<vmem>>, vector<1x1x16xf32>,
        %parallel_loop3A_311 = vector.shape_cast %parallel_loop3A_310 : vector<1x1x16xf32> to vector<16xf32>
        %parallel_loop3A_312 = vector.shape_cast %parallel_loop3A_305 : vector<16xf32> to vector<1x1x16xf32>
        tpu.vector_store %arg12[%parallel_loop3A_307, %parallel_loop3A_308, %parallel_loop3A_309], %parallel_loop3A_312 {strides = array<i32>} : memref<4x16x768xf32, #tpu.memory_space<vmem>>, vector<1x1x16xf32>,
      } {sc.loop_unroll_factor = 1 : i64, sc.parallel_access}
      %mul3A_185 = arith.constant 16 : i32
      %mul3A_186 = arith.muli %scan3A_86, %mul3A_185 : i32
      %add3A_187 = arith.addi %mul3A_2, %mul3A_186 : i32
      %dma_start3A_188 = arith.constant 0 : i32
      %dma_start3A_189 = arith.constant 0 : i32
      %dma_start3A_190 = tpu.memref_slice %arg12[%rem3A_87, %dma_start3A_188, %dma_start3A_189] : memref<4x16x768xf32, #tpu.memory_space<vmem>> -> memref<1x16x768xf32, #tpu.memory_space<vmem>>
      %dma_start3A_191 = tpu.memref_squeeze %dma_start3A_190 : memref<1x16x768xf32, #tpu.memory_space<vmem>> -> memref<16x768xf32, #tpu.memory_space<vmem>>
      %dma_start3A_192 = arith.constant 0 : i32
      %dma_start3A_193 = tpu.memref_slice %arg7[%add3A_187, %dma_start3A_192] : memref<8192x768xf32, #tpu.memory_space<hbm>> -> memref<16x768xf32, #tpu.memory_space<hbm>>
      %dma_start3A_194 = tpu.memref_slice %arg14[%rem3A_87] : memref<4x!tpu.dma_semaphore, #tpu.memory_space<semaphore_mem>> -> memref<1x!tpu.dma_semaphore, #tpu.memory_space<semaphore_mem>>
      %dma_start3A_195 = tpu.memref_squeeze %dma_start3A_194 : memref<1x!tpu.dma_semaphore, #tpu.memory_space<semaphore_mem>> -> memref<!tpu.dma_semaphore, #tpu.memory_space<semaphore_mem>>
      %dma_start3A_196 = arith.constant 0 : i32
      %dma_start3A_197 = tpu.memref_slice %arg7[%add3A_187, %dma_start3A_196] : memref<8192x768xf32, #tpu.memory_space<hbm>> -> memref<16x768xf32, #tpu.memory_space<hbm>>
      %dma_start3A_198 = arith.constant 0 : i32
      %dma_start3A_199 = arith.constant 0 : i32
      %dma_start3A_200 = tpu.memref_slice %arg12[%rem3A_87, %dma_start3A_198, %dma_start3A_199] : memref<4x16x768xf32, #tpu.memory_space<vmem>> -> memref<1x16x768xf32, #tpu.memory_space<vmem>>
      %dma_start3A_201 = tpu.memref_squeeze %dma_start3A_200 : memref<1x16x768xf32, #tpu.memory_space<vmem>> -> memref<16x768xf32, #tpu.memory_space<vmem>>
      tpu.enqueue_dma source(%dma_start3A_201 : memref<16x768xf32, #tpu.memory_space<vmem>>) target(%dma_start3A_197 : memref<16x768xf32, #tpu.memory_space<hbm>>) target_semaphore(%dma_start3A_195 : memref<!tpu.dma_semaphore, #tpu.memory_space<semaphore_mem>>)
      %add3A_202 = arith.constant 4 : i32
      %add3A_203 = arith.addi %rem3A_87, %add3A_202 : i32
      %sub3A = arith.constant 1 : i32
      %sub3A_204 = arith.subi %add3A_203, %sub3A : i32
      %rem3A_205 = arith.constant 4 : i32
      %rem3A_206 = arith.remsi %sub3A_204, %rem3A_205 : i32
      %ge3A = arith.constant 1 : i32
      %ge3A_207 = arith.cmpi sge, %scan3A_86, %ge3A : i32
      %convert_element_type3A = arith.extui %ge3A_207 : i1 to i32
      %cond3A = arith.constant 0 : i32
      %cond3A_208 = arith.cmpi ne, %convert_element_type3A, %cond3A : i32
      scf.if %cond3A_208 {
        %sub3A_217 = arith.constant 1 : i32
        %sub3A_218 = arith.subi %scan3A_86, %sub3A_217 : i32
        %mul3A_219 = arith.constant 16 : i32
        %mul3A_220 = arith.muli %sub3A_218, %mul3A_219 : i32
        %add3A_221 = arith.addi %mul3A_2, %mul3A_220 : i32
        %dma_wait3A_222 = arith.constant 0 : i32
        %dma_wait3A_223 = arith.constant 0 : i32
        %dma_wait3A_224 = tpu.memref_slice %arg12[%rem3A_206, %dma_wait3A_222, %dma_wait3A_223] : memref<4x16x768xf32, #tpu.memory_space<vmem>> -> memref<1x16x768xf32, #tpu.memory_space<vmem>>
        %dma_wait3A_225 = tpu.memref_squeeze %dma_wait3A_224 : memref<1x16x768xf32, #tpu.memory_space<vmem>> -> memref<16x768xf32, #tpu.memory_space<vmem>>
        %dma_wait3A_226 = arith.constant 0 : i32
        %dma_wait3A_227 = tpu.memref_slice %arg7[%add3A_221, %dma_wait3A_226] : memref<8192x768xf32, #tpu.memory_space<hbm>> -> memref<16x768xf32, #tpu.memory_space<hbm>>
        %dma_wait3A_228 = tpu.memref_slice %arg14[%rem3A_206] : memref<4x!tpu.dma_semaphore, #tpu.memory_space<semaphore_mem>> -> memref<1x!tpu.dma_semaphore, #tpu.memory_space<semaphore_mem>>
        %dma_wait3A_229 = tpu.memref_squeeze %dma_wait3A_228 : memref<1x!tpu.dma_semaphore, #tpu.memory_space<semaphore_mem>> -> memref<!tpu.dma_semaphore, #tpu.memory_space<semaphore_mem>>
        %dma_wait3A_230 = arith.constant 0 : i32
        %dma_wait3A_231 = tpu.memref_slice %arg7[%add3A_221, %dma_wait3A_230] : memref<8192x768xf32, #tpu.memory_space<hbm>> -> memref<16x768xf32, #tpu.memory_space<hbm>>
        %dma_wait3A_232 = arith.constant 0 : i32
        %dma_wait3A_233 = arith.constant 0 : i32
        %dma_wait3A_234 = tpu.memref_slice %arg12[%rem3A_206, %dma_wait3A_232, %dma_wait3A_233] : memref<4x16x768xf32, #tpu.memory_space<vmem>> -> memref<1x16x768xf32, #tpu.memory_space<vmem>>
        %dma_wait3A_235 = tpu.memref_squeeze %dma_wait3A_234 : memref<1x16x768xf32, #tpu.memory_space<vmem>> -> memref<16x768xf32, #tpu.memory_space<vmem>>
        tpu.wait_dma2 semaphore(%dma_wait3A_229 : memref<!tpu.dma_semaphore, #tpu.memory_space<semaphore_mem>>) src(%dma_wait3A_235 : memref<16x768xf32, #tpu.memory_space<vmem>>) dst(%dma_wait3A_231 : memref<16x768xf32, #tpu.memory_space<hbm>>)
      } else {
      }
      %add3A_209 = arith.constant 4 : i32
      %add3A_210 = arith.addi %scan3A_86, %add3A_209 : i32
      %sub3A_211 = arith.constant 1 : i32
      %sub3A_212 = arith.subi %add3A_210, %sub3A_211 : i32
      %lt3A = arith.constant 16 : i32
      %lt3A_213 = arith.cmpi slt, %sub3A_212, %lt3A : i32
      %convert_element_type3A_214 = arith.extui %lt3A_213 : i1 to i32
      %cond3A_215 = arith.constant 0 : i32
      %cond3A_216 = arith.cmpi ne, %convert_element_type3A_214, %cond3A_215 : i32
      scf.if %cond3A_216 {
        %add3A_217 = arith.constant 4 : i32
        %add3A_218 = arith.addi %scan3A_86, %add3A_217 : i32
        %sub3A_219 = arith.constant 1 : i32
        %sub3A_220 = arith.subi %add3A_218, %sub3A_219 : i32
        %mul3A_221 = arith.constant 16 : i32
        %mul3A_222 = arith.muli %sub3A_220, %mul3A_221 : i32
        %add3A_223 = arith.addi %mul3A_2, %mul3A_222 : i32
        %dma_start3A_224 = arith.constant 0 : i32
        %dma_start3A_225 = arith.constant 0 : i32
        %dma_start3A_226 = tpu.memref_slice %arg12[%rem3A_206, %dma_start3A_224, %dma_start3A_225] : memref<4x16x768xf32, #tpu.memory_space<vmem>> -> memref<1x16x768xf32, #tpu.memory_space<vmem>>
        %dma_start3A_227 = tpu.memref_squeeze %dma_start3A_226 : memref<1x16x768xf32, #tpu.memory_space<vmem>> -> memref<16x768xf32, #tpu.memory_space<vmem>>
        %dma_start3A_228 = arith.constant 0 : i32
        %dma_start3A_229 = tpu.memref_slice %arg4[%add3A_223, %dma_start3A_228] : memref<8192x768xf32, #tpu.memory_space<hbm>> -> memref<16x768xf32, #tpu.memory_space<hbm>>
        %dma_start3A_230 = tpu.memref_slice %arg13[%rem3A_206] : memref<4x!tpu.dma_semaphore, #tpu.memory_space<semaphore_mem>> -> memref<1x!tpu.dma_semaphore, #tpu.memory_space<semaphore_mem>>
        %dma_start3A_231 = tpu.memref_squeeze %dma_start3A_230 : memref<1x!tpu.dma_semaphore, #tpu.memory_space<semaphore_mem>> -> memref<!tpu.dma_semaphore, #tpu.memory_space<semaphore_mem>>
        %dma_start3A_232 = arith.constant 0 : i32
        %dma_start3A_233 = arith.constant 0 : i32
        %dma_start3A_234 = tpu.memref_slice %arg12[%rem3A_206, %dma_start3A_232, %dma_start3A_233] : memref<4x16x768xf32, #tpu.memory_space<vmem>> -> memref<1x16x768xf32, #tpu.memory_space<vmem>>
        %dma_start3A_235 = tpu.memref_squeeze %dma_start3A_234 : memref<1x16x768xf32, #tpu.memory_space<vmem>> -> memref<16x768xf32, #tpu.memory_space<vmem>>
        %dma_start3A_236 = arith.constant 0 : i32
        %dma_start3A_237 = tpu.memref_slice %arg4[%add3A_223, %dma_start3A_236] : memref<8192x768xf32, #tpu.memory_space<hbm>> -> memref<16x768xf32, #tpu.memory_space<hbm>>
        tpu.enqueue_dma source(%dma_start3A_237 : memref<16x768xf32, #tpu.memory_space<hbm>>) target(%dma_start3A_235 : memref<16x768xf32, #tpu.memory_space<vmem>>) target_semaphore(%dma_start3A_231 : memref<!tpu.dma_semaphore, #tpu.memory_space<semaphore_mem>>)
      } else {
      }
    }
    %scan3A_67 = arith.constant 16 : i32
    %add3A_68 = arith.constant 240 : i32
    %add3A_69 = arith.addi %mul3A_2, %add3A_68 : i32
    %dma_wait3A_70 = arith.constant 3 : i32
    %dma_wait3A_71 = arith.constant 3 : i32
    %dma_wait3A_72 = arith.constant 0 : i32
    %dma_wait3A_73 = arith.constant 0 : i32
    %dma_wait3A_74 = tpu.memref_slice %arg12[%dma_wait3A_70, %dma_wait3A_72, %dma_wait3A_73] : memref<4x16x768xf32, #tpu.memory_space<vmem>> -> memref<1x16x768xf32, #tpu.memory_space<vmem>>
    %dma_wait3A_75 = tpu.memref_squeeze %dma_wait3A_74 : memref<1x16x768xf32, #tpu.memory_space<vmem>> -> memref<16x768xf32, #tpu.memory_space<vmem>>
    %dma_wait3A_76 = arith.constant 0 : i32
    %dma_wait3A_77 = tpu.memref_slice %arg7[%add3A_69, %dma_wait3A_76] : memref<8192x768xf32, #tpu.memory_space<hbm>> -> memref<16x768xf32, #tpu.memory_space<hbm>>
    %dma_wait3A_78 = tpu.memref_slice %arg14[%dma_wait3A_71] : memref<4x!tpu.dma_semaphore, #tpu.memory_space<semaphore_mem>> -> memref<1x!tpu.dma_semaphore, #tpu.memory_space<semaphore_mem>>
    %dma_wait3A_79 = tpu.memref_squeeze %dma_wait3A_78 : memref<1x!tpu.dma_semaphore, #tpu.memory_space<semaphore_mem>> -> memref<!tpu.dma_semaphore, #tpu.memory_space<semaphore_mem>>
    %dma_wait3A_80 = arith.constant 0 : i32
    %dma_wait3A_81 = tpu.memref_slice %arg7[%add3A_69, %dma_wait3A_80] : memref<8192x768xf32, #tpu.memory_space<hbm>> -> memref<16x768xf32, #tpu.memory_space<hbm>>
    %dma_wait3A_82 = arith.constant 0 : i32
    %dma_wait3A_83 = arith.constant 0 : i32
    %dma_wait3A_84 = tpu.memref_slice %arg12[%dma_wait3A_70, %dma_wait3A_82, %dma_wait3A_83] : memref<4x16x768xf32, #tpu.memory_space<vmem>> -> memref<1x16x768xf32, #tpu.memory_space<vmem>>
    %dma_wait3A_85 = tpu.memref_squeeze %dma_wait3A_84 : memref<1x16x768xf32, #tpu.memory_space<vmem>> -> memref<16x768xf32, #tpu.memory_space<vmem>>
    tpu.wait_dma2 semaphore(%dma_wait3A_79 : memref<!tpu.dma_semaphore, #tpu.memory_space<semaphore_mem>>) src(%dma_wait3A_85 : memref<16x768xf32, #tpu.memory_space<vmem>>) dst(%dma_wait3A_81 : memref<16x768xf32, #tpu.memory_space<hbm>>)
    return
  }
}

</mosaic_0001>

<sc_bundles>
// kernel: _temporal_embedding.3.cloned.1.call-start
scs
__scs_entry_jumppad:
0x0: {  	(pc) =	sbr.rel $0x88, $3  }
0x1: {  	(tag) =	ssettag $0x0;
	lr =	simm.s32 $0x1  }
0x2: {  	[smem:$0x3F9C] =	sst lr;
	_ =	strace $0xD0000000  }
0x3: {  	_ = 	snop  }
0x4: {  	_ = 	snop  }
0x5: {  	_ = 	snop  }
0x6: {  	_ = 	snop  }
0x7: {  	_ = 	snop  }
__scs_overlays_trampoline_lowered:
0x8: {  	[smem:$0x3FAB] =	sst s0  }
0x9: {  	[smem:$0x3FAC] =	sst s1  }
0xa: {  	[smem:$0x3FAD] =	sst s2  }
0xb: {  	[smem:$0x3FAE] =	sst s3  }
0xc: {  	[smem:$0x3FAF] =	sst s4  }
0xd: {  	[smem:$0x3FB0] =	sst s5  }
0xe: {  	[smem:$0x3FB1] =	sst s6  }
0xf: {  	[smem:$0x3FB2] =	sst s7  }
0x10: {  	[smem:$0x3FB3] =	sst s8  }
0x11: {  	[smem:$0x3FB4] =	sst s9;
	s0 =	simm.s32 @!p0 $0x0  }
0x12: {  	s1 =	sld [smem:$0x3F9A];
	s0 =	simm.s32 @p0 $0x1  }
0x13: {  	[smem:$0x3FB5] =	sst s0;
	s0 =	simm.s32 @!p1 $0x0  }
0x14: {  	s2 =	sld [smem:$0x3F99];
	s0 =	simm.s32 @p1 $0x1  }
0x15: {  	[smem:$0x3FB6] =	sst s0;
	s0 =	simm.s32 @!p2 $0x0  }
0x16: {  	s3 =	sld [smem:$0x3FDB];
	s0 =	simm.s32 @p2 $0x1  }
0x17: {  	s4 =	simm.s32 $0x1BF5;
	[smem:$0x3FB8] =	sst s0  }
0x18: {  	s0 =	sld [smem:$0x3F9B];
	_ =	swait.ge [sflag:s4], $0x0  }
0x19: {  	s7 =	sld [smem:$0x3F9C]  }
0x1a: {  	s8 =	sadd.s32 $0xFFFFE003, lr  }
0x1b: {  	s9 =	sadd.s32 $0xFFFFFEF7, lr;
	s5 =	simm.s32 $0xFFFFFFFF;
	p2 =	slt.u32 s8, $0xFFFFF086  }
0x1c: {  	p1 =	slt.u32 s9, $0xF7A;
	s5 =	simm.s32 @!p2 $0x0  }
0x1d: {  	s5 =	simm.s32 @p1 $0x1;
	p0 =	seq.s32 s7, s2  }
0x1e: {  	s7 =	smul.u32 @!p0 $0xF7A, s2;
	p2 =	seq.s32 @!p0 s5, $0x0  }
0x1f: {  	s9 =	smul.u32 $0xF7A, s1;
	s8 =	simm.s32 @!p0 $0x1BF5;
	p2 =	por !p2, p0  }
0x20: {  	[sflag:s8] =	ssyncset.s32 @!p0 $0xFFFFF086;
	s6 =	sadd.s32 @!p0 s3, s7;
	s7 =	simm.s32 @!p0 $0x108  }
0x21: {  	s3 =	sadd.s32 s3, s9;
	s6 =	sadd.s32 @!p0 $0x88, s6;
	s7 =	simm.s32 @p2 $0x1082  }
0x22: {  	[simem:s7], [sflag:s8] =	dma.local @!p0 [hbm:s6], $0xF7A  }
0x23: {  	s9 =	sor.u32 $0xD0000000, s2;
	s6 =	simm.s32 $0x108;
	_ =	swait.ge @!p0 [sflag:s8], $0x0  }
0x24: {  	s3 =	sadd.s32 $0x88, s3;
	s6 =	simm.s32 @!p1 $0x1082;
	[sflag:s4] =	ssyncset.s32 $0xFFFFF086  }
0x25: {  	[simem:s6], [sflag:s4] =	dma.local [hbm:s3], $0xF7A  }
0x26: {  	[smem:$0x3F9C] =	sst s1;
	(tag) =	ssettag s2;
	_ =	strace s9  }
0x27: {  	s1 =	sld [smem:$0x3FAC]  }
0x28: {  	s2 =	sld [smem:$0x3FAD]  }
0x29: {  	s4 =	sld [smem:$0x3FAF]  }
0x2a: {  	p0 =	seq.s32 s5, $0x0;
	s5 =	sld [smem:$0x3FB0]  }
0x2b: {  	s6 =	sld [smem:$0x3FB1]  }
0x2c: {  	s7 =	sld [smem:$0x3FB2]  }
0x2d: {  	s3 =	simm.s32 $0x108;
	s8 =	sld [smem:$0x3FB3]  }
0x2e: {  	s3 =	simm.s32 @!p0 $0x1082;
	s9 =	sld [smem:$0x3FB4]  }
0x2f: {  	lr =	sadd.s32 s0, s3;
	s0 =	sld [smem:$0x3FAB]  }
0x30: {  	s3 =	sld [smem:$0x3FAE]  }
0x31: {  	[smem:$0x3FB7] =	sst s10  }
0x32: {  	s10 =	sld [smem:$0x3FB5];
	_ =	sdelay $0x3  }
0x33: {  	p0 =	seq.s32 s10, $0x1;
	s10 =	sld [smem:$0x3FB7];
	_ =	sdelay $0x3  }
0x34: {  	[smem:$0x3FB7] =	sst s10  }
0x35: {  	s10 =	sld [smem:$0x3FB6];
	_ =	sdelay $0x3  }
0x36: {  	p1 =	seq.s32 s10, $0x1;
	s10 =	sld [smem:$0x3FB7];
	_ =	sdelay $0x3  }
0x37: {  	[smem:$0x3FB7] =	sst s10  }
0x38: {  	s10 =	sld [smem:$0x3FB8]  }
0x39: {  	_ = 	snop;
	(pc) =	sbr.ind lr, $3  }
0x3a: {  	_ = 	snop  }
0x3b: {  	_ = 	snop  }
0x3c: {  	p2 =	seq.s32 s10, $0x1;
	s10 =	sld [smem:$0x3FB7]  }
0x3d: {  	_ =	shalt  }
0x3e: {  	_ =	shalt  }
0x3f: {  	_ =	shalt  }
0x40: {  	_ =	shalt  }
0x41: {  	_ =	shalt  }
0x42: {  	_ =	shalt  }
0x43: {  	_ =	shalt  }
0x44: {  	_ =	shalt  }
0x45: {  	_ =	shalt  }
0x46: {  	_ =	shalt  }
0x47: {  	_ =	shalt  }
0x48: {  	_ =	shalt  }
0x49: {  	_ =	shalt  }
0x4a: {  	_ =	shalt  }
0x4b: {  	_ =	shalt  }
0x4c: {  	_ =	shalt  }
0x4d: {  	_ =	shalt  }
0x4e: {  	_ =	shalt  }
0x4f: {  	_ =	shalt  }
0x50: {  	_ =	shalt  }
0x51: {  	_ =	shalt  }
0x52: {  	_ =	shalt  }
0x53: {  	_ =	shalt  }
0x54: {  	_ =	shalt  }
0x55: {  	_ =	shalt  }
0x56: {  	_ =	shalt  }
0x57: {  	_ =	shalt  }
0x58: {  	_ =	shalt  }
0x59: {  	_ =	shalt  }
0x5a: {  	_ =	shalt  }
0x5b: {  	_ =	shalt  }
0x5c: {  	_ =	shalt  }
0x5d: {  	_ =	shalt  }
0x5e: {  	_ =	shalt  }
0x5f: {  	_ =	shalt  }
0x60: {  	_ =	shalt  }
0x61: {  	_ =	shalt  }
0x62: {  	_ =	shalt  }
0x63: {  	_ =	shalt  }
0x64: {  	_ =	shalt  }
0x65: {  	_ =	shalt  }
0x66: {  	_ =	shalt  }
0x67: {  	_ =	shalt  }
0x68: {  	_ =	shalt  }
0x69: {  	_ =	shalt  }
0x6a: {  	_ =	shalt  }
0x6b: {  	_ =	shalt  }
0x6c: {  	_ =	shalt  }
0x6d: {  	_ =	shalt  }
0x6e: {  	_ =	shalt  }
0x6f: {  	_ =	shalt  }
0x70: {  	_ =	shalt  }
0x71: {  	_ =	shalt  }
0x72: {  	_ =	shalt  }
0x73: {  	_ =	shalt  }
0x74: {  	_ =	shalt  }
0x75: {  	_ =	shalt  }
0x76: {  	_ =	shalt  }
0x77: {  	_ =	shalt  }
0x78: {  	_ =	shalt  }
0x79: {  	_ =	shalt  }
0x7a: {  	_ =	shalt  }
0x7b: {  	_ =	shalt  }
0x7c: {  	_ =	shalt  }
0x7d: {  	_ =	shalt  }
0x7e: {  	_ =	shalt  }
0x7f: {  	_ =	shalt  }
0x80: {  	_ =	shalt  }
0x81: {  	_ =	shalt  }
0x82: {  	_ =	shalt  }
0x83: {  	_ =	shalt  }
0x84: {  	_ =	shalt  }
0x85: {  	_ =	shalt  }
0x86: {  	_ =	shalt  }
0x87: {  	_ =	shalt  }
.Lfunc_end0:
.L_simem_size_0:
called_computation_lowered:
.L_overlay_start_0:
0x88: {  	s2 =	sld [smem:$0x3FD9]  }
0x89: {  	s3 =	sld [smem:$0x3FFE];
	_ =	sdelay $0x1  }
0x8a: {  	s1 =	srdreg.scid  }
0x8b: {  	s0 =	sand.u32 $0x1, s1  }
0x8c: {  	s18 =	sshll.u32 s0, $0xA;
	s2 =	sadd.s32 s3, s2  }
0x8d: {  	s2 =	sadd.s32 s2, s18  }
0x8e: {  	[smem:$0x3FC3] =	sst s2  }
0x8f: {  	_ = 	snop  }
0x90: {  	s2 =	sld [smem:$0x3FC9]  }
0x91: {  	s19 =	sld [smem:$0x3FC8]  }
0x92: {  	s4 =	sld [smem:$0x3FC7]  }
0x93: {  	s5 =	sld [smem:$0x3FC6]  }
0x94: {  	s6 =	sld [smem:$0x3FC5]  }
0x95: {  	s7 =	sld [smem:$0x3FD0];
	(tm) =	ssettm $0x1  }
0x96: {  	s8 =	sld [smem:$0x3FFB];
	_ =	sdelay $0x3  }
0x97: {  	_ =	strace s8  }
0x98: {  	s8 =	sld [smem:$0x3FFC];
	_ =	sdelay $0x3  }
0x99: {  	_ =	strace s8  }
0x9a: {  	s8 =	sld [smem:$0x3FFD];
	_ =	sdelay $0x3  }
0x9b: {  	_ =	strace s8  }
0x9c: {  	_ =	strace $0x8FFFFFFF  }
0x9d: {  	s20 =	sld [smem:$0x3FDB];
	_ =	sdelay $0x1  }
0x9e: {  	s9 =	simm.s32 $_scs_section_size  }
0x9f: {  	s10 =	simm.s32 $_size__tile_overlayer_lowered;
	s11 =	simm.s32 $_tile_overlayer_lowered  }
0xa0: {  	s23 =	simm.s32 $0x1BFF;
	s22 =	sshll.u32 s11, $0x1;
	s8 =	sadd.s32 s9, s20  }
0xa1: {  	s12 =	simm.s32 $0x0;
	s21 =	sshll.u32 s10, $0x1;
	s10 =	sadd.s32 s22, s8  }
0xa2: {  	[timem:s12], [sflag:s23] =	dma.local [hbm:s10], s21  }
0xa3: {  	_ =	swait.ge [sflag:s23], s21  }
0xa4: {  	s9 =	ssub.s32 $0x0, s21;
	[sflag:s23] =	ssyncset.done $0x0  }
0xa5: {  	[sflag:s23] =	ssyncadd.s32 s9;
	_ =	sdelay $0x1  }
0xa6: {  	s24 =	simm.s32 $0x1B8B  }
0xa7: {  	_ =	swait.ge [sflag:s24], $0x1  }
0xa8: {  	[sflag:s24] =	ssyncset.done $0x0  }
0xa9: {  	s25 =	simm.s32 $0x1B8E;
	[sflag:s24] =	ssyncadd.s32 $0xFFFFFFFF  }
0xaa: {  	s26 =	simm.s32 $execute0_lowered;
	[smem:$0x3FD2] =	sst s25  }
0xab: {  	s9 =	sshll.u32 s26, $0x1;
	_ =	strace $0x80000046;
	[dreg:$0x1] =	wrdreg $0xFFFFFFFF  }
0xac: {  	s28 =	simm.s32 $_size_execute0_lowered;
	s8 =	sadd.s32 s8, s9;
	[dreg:$0x0] =	wrdreg $0x0  }
0xad: {  	s9 =	sshll.u32 s28, $0x1;
	[dreg:$0x2] =	wrdreg s8  }
0xae: {  	[dreg:$0x3] =	wrdreg s9  }
0xaf: {  	[dreg:$0x4] =	wrdreg $0xC0  }
0xb0: {  	_ =	task [dreg:s12], $0x5FFFF  }
0xb1: {  	[dreg:$0x1] =	wrdreg $0xFFFFFFFF  }
0xb2: {  	[dreg:$0x0] =	wrdreg $0x60  }
0xb3: {  	[dreg:$0x2] =	wrdreg s2  }
0xb4: {  	[dreg:$0x3] =	wrdreg s19  }
0xb5: {  	[dreg:$0x4] =	wrdreg s4  }
0xb6: {  	[dreg:$0x5] =	wrdreg s5  }
0xb7: {  	[dreg:$0x6] =	wrdreg s6  }
0xb8: {  	[dreg:$0x7] =	wrdreg s7  }
0xb9: {  	[dreg:$0x8] =	wrdreg $0x9  }
0xba: {  	_ =	task.clear_ibuf [dreg:s12], $0x9FFFF;
	_ =	strace $0x90000046  }
0xbb: {  	s29 =	simm.s32 $0x9;
	_ =	strace $0x80000048  }
0xbc: {  	_ =	swait.ge [sflag:s29], $0x1  }
0xbd: {  	[sflag:s29] =	ssyncadd.s32 $0xFFFFFFFF  }
0xbe: {  	_ =	strace $0x90000048  }
0xbf: {  	_ =	sfence  }
0xc0: {  	s30 =	sld [smem:$0x0];
	_ =	sdelay $0x2  }
0xc1: {  	s31 =	sshll.u32 s1, $0xD;
	s1 =	sshrl.u32 s1, $0x2  }
0xc2: {  	s3 =	sand.u32 $0x4000, s31;
	s1 =	sadd.s32 s1, s30  }
0xc3: {  	s0 =	sor.u32 s3, s0;
	s1 =	sshll.u32 s1, $0x11  }
0xc4: {  	s0 =	sor.u32 s1, s0  }
0xc5: {  	s0 =	sadd.s32 $0x8F2B, s0  }
0xc6: {  	[sflag:s0] =	ssyncadd.remote.s32 $0x1  }
0xc7: {  	_ =	sfence.sel $0xFFFF  }
0xc8: {  	[dreg:$0x0] =	wrdreg $0xFFFFFFFF;
	(pc) =	sbr.abs _section_cstart, $3  }
0xc9: {  	[dreg:$0x1] =	wrdreg $0xFFFFFFFF  }
0xca: {  	_ =	task.clear_ibuf [dreg:s12], $0x2FFFF;
	_ =	strace $0x9FFFFFFF  }
0xcb: {  	(tm) =	ssettm $0x7FFFFFFF  }
tec
execute0_lowered:
.L_overlay_start_1:
0x0: {  	(tag) =	ssettag $0x1  }
0x1: {  	s0 =	rddreg [dreg:$0x0]  }
0x2: {  	s1 =	rddreg [dreg:$0x1]  }
0x3: {  	s5 =	rddreg [dreg:$0x2];
	s2 =	srdreg.scid  }
0x4: {  	s3 =	stileid.u32;
	s7 =	simm.s32 $0x0;
	s2 =	sand.u32 $0x1, s2  }
0x5: {  	s3 =	sshll.u32 s3, $0x9;
	[smem:$0x7FF] =	sst s7;
	s4 =	sshll.u32 s2, $0x8  }
0x6: {  	s2 =	ssub.s32 $0x2, s2;
	_ =	strace $0x80000047;
	s6 =	sor.u32 s4, s3  }
0x7: {  	s8 =	sshrl.u32 s2, $0x1;
	s3 =	sshrl.u32 s6, $0x3;
	s30 =	sor.u32 $0x30, s6  }
0x8: {  	s2 =	ssub.s32 s2, s8;
	s0 =	sadd.s32 s0, s3;
	[dreg:$0xc] =	wrdreg s30  }
0x9: {  	s25 =	smul.u32 $0x300, s3;
	s26 =	sadd.s32 s1, s3;
	[dreg:$0x8] =	wrdreg s0  }
0xa: {  	s31 =	smax.u32 s2, $0x1;
	[dreg:$0x9] =	wrdreg s26  }
0xb: {  	[dreg:$0xd] =	wrdreg s31;
	s4 =	sadd.s32 s5, s25  }
0xc: {  	s28 =	sadd.s32 $0x600, s4;
	[dreg:$0x7] =	wrdreg s4  }
0xd: {  	s29 =	sadd.s32 $0xC00, s4;
	[dreg:$0xa] =	wrdreg s28  }
0xe: {  	s2 =	simm.s32 $0x0;
	[dreg:$0xb] =	wrdreg s29  }
.LBB2_1:
0xf: {  	[dreg:$0xe] =	wrdreg s2  }
0x10: {  	s1 =	simm.s32 $0x0;
	s0 =	rddreg [dreg:$0x8]  }
0x11: {  	[tilespmem:s1], [sflag:$0x9] =	stream.linear.gather [hbm4b:s0+s1], $0x100, $0x38;
	[tilespmem:$0x12200] =	vst v63  }
0x12: {  	s14 =	rddreg [dreg:$0x9];
	s15 =	simm.s32 $0x100  }
0x13: {  	[tilespmem:s15], [sflag:$0xA] =	stream.linear.gather [hbm4b:s14+s1], $0x100, $0x38;
	[tilespmem:$0x12200] =	vst v63  }
0x14: {  	s16 =	rddreg [dreg:$0x3];
	s17 =	simm.s32 $0x200  }
0x15: {  	[tilespmem:s17], [sflag:$0xB] =	stream.linear.gather [hbm4b:s16+s1], $0x4800, $0x38;
	[tilespmem:$0x12200] =	vst v63  }
0x16: {  	s18 =	rddreg [dreg:$0x4];
	s19 =	simm.s32 $0x4A00  }
0x17: {  	[tilespmem:s19], [sflag:$0xC] =	stream.linear.gather [hbm4b:s18+s1], $0x1800, $0x38;
	[tilespmem:$0x12200] =	vst v63  }
0x18: {  	s20 =	rddreg [dreg:$0x7];
	s21 =	simm.s32 $0x6200  }
0x19: {  	[tilespmem:s21], [sflag:$0x1] =	stream.linear.gather [hbm4b:s20+s1], $0x3000, $0x38;
	[tilespmem:$0x12200] =	vst v63  }
0x1a: {  	s22 =	rddreg [dreg:$0xa];
	s23 =	simm.s32 $0x9200  }
0x1b: {  	[tilespmem:s23], [sflag:$0x2] =	stream.linear.gather [hbm4b:s22+s1], $0x3000, $0x38;
	[tilespmem:$0x12200] =	vst v63  }
0x1c: {  	s24 =	rddreg [dreg:$0xb];
	s25 =	simm.s32 $0xC200;
	s26 =	simm.s32 $0x9  }
0x1d: {  	[tilespmem:s25], [sflag:$0x3] =	stream.linear.gather [hbm4b:s24+s1], $0x3000, $0x38;
	[tilespmem:$0x12200] =	vst v63  }
0x1e: {  	_ =	swait.ge [sflag:s26], $0x100  }
0x1f: {  	[sflag:s26] =	ssyncset.done $0x0  }
0x20: {  	s29 =	simm.s32 $0xA;
	[sflag:s26] =	ssyncadd.s32 $0xFFFFFF00  }
0x21: {  	_ =	swait.ge [sflag:s29], $0x100  }
0x22: {  	[sflag:s29] =	ssyncset.done $0x0  }
0x23: {  	s30 =	simm.s32 $0xB;
	[sflag:s29] =	ssyncadd.s32 $0xFFFFFF00  }
0x24: {  	_ =	swait.ge [sflag:s30], $0x4800  }
0x25: {  	[sflag:s30] =	ssyncset.done $0x0  }
0x26: {  	s31 =	simm.s32 $0xC;
	[sflag:s30] =	ssyncadd.s32 $0xFFFFB800  }
0x27: {  	_ =	swait.ge [sflag:s31], $0x1800  }
0x28: {  	[sflag:s31] =	ssyncset.done $0x0  }
0x29: {  	s28 =	simm.s32 $0x0;
	[sflag:s31] =	ssyncadd.s32 $0xFFFFE800  }
.LBB2_2:
0x2a: {  	s30 =	sand.u32 $0x3, s28  }
0x2b: {  	s0 =	sadd.s32 $0x1, s30  }
0x2c: {  	_ =	swait.ge [sflag:s0], $0x3000  }
0x2d: {  	[sflag:s0] =	ssyncset.done $0x0  }
0x2e: {  	s29 =	sshll.u32 s28, $0x4;
	[sflag:s0] =	ssyncadd.s32 $0xFFFFD000  }
0x2f: {  	v1 =	vld [tilespmem:s29+$0x0];
	_ =	sdelay $0x3  }
0x30: {  	v0 =	vld [tilespmem:s29+$0x100]  }
0x31: {  	(v2sf) =	vpush v1, $0x0  }
0x32: {  	(v2sf) =	vpush v1, $0x1  }
0x33: {  	(v2sf) =	vpush v1, $0x2  }
0x34: {  	(v2sf) =	vpush v1, $0x3  }
0x35: {  	(v2sf) =	vpush v0, $0x0;
	_ =	sdelay $0x5  }
0x36: {  	(v2sf) =	vpush v0, $0x1;
	_ =	sdelay $0x3  }
0x37: {  	s7 =	simm.s32 $0x0  }
0x38: {  	s19 =	simm.s32 $0x80;
	s20 =	simm.s32 $0x10;
	s24 =	spop (v2sf)  }
0x39: {  	s2 =	smul.u32 $0xC000, s30;
	s1 =	spop (v2sf);
	s3 =	sshrl.u32 s24, $0x3  }
0x3a: {  	(v2sf) =	vpush v0, $0x2;
	s0 =	sshll.u32 s24, $0x7;
	s24 =	sand.u32 $0x70, s7;
	s4 =	spop (v2sf)  }
0x3b: {  	s9 =	smul.u32 $0x6000, s3;
	s3 =	sshrl.u32 s2, $0x2;
	s8 =	spop (v2sf)  }
0x3c: {  	s0 =	sand.u32 $0x380, s0;
	s12 =	sshrl.u32 s1, $0x3;
	s10 =	spop (v2sf)  }
0x3d: {  	s1 =	sshll.u32 s1, $0x7;
	s25 =	sshra.s32 s9, $0x2;
	s26 =	sshrl.u32 s10, $0x3  }
0x3e: {  	s31 =	sadd.s32 $0x6200, s3;
	s0 =	sor.u32 s0, s25;
	s2 =	smul.u32 $0x6000, s26  }
0x3f: {  	s5 =	sshll.u32 s10, $0x7;
	s25 =	sand.u32 $0x1C00, s7;
	s17 =	sadd.s32 $0x200, s0  }
0x40: {  	s9 =	sand.u32 $0x380, s5;
	s10 =	sadd.s32 s25, s31;
	s2 =	sshra.s32 s2, $0x2  }
0x41: {  	s0 =	sadd.s32 s24, s10;
	s11 =	sadd.s32 s25, s17;
	s2 =	sor.u32 s9, s2  }
0x42: {  	s14 =	spop (v2sf);
	v2 =	vld [tilespmem:s0+$0x0];
	s9 =	sadd.s32 s24, s11;
	s18 =	sadd.s32 $0x4A00, s2  }
0x43: {  	s11 =	sshrl.u32 s14, $0x3;
	s2 =	smul.u32 $0x6000, s12;
	v3 =	vld [tilespmem:s9+$0x0];
	s13 =	sadd.s32 s25, s18  }
0x44: {  	s22 =	sshrl.u32 s4, $0x3;
	s15 =	smul.u32 $0x6000, s11;
	s9 =	sadd.s32 s24, s13  }
0x45: {  	s1 =	sand.u32 $0x380, s1;
	s4 =	sshll.u32 s4, $0x7;
	s11 =	smul.u32 $0x6000, s22;
	v4 =	vld [tilespmem:s9+$0x0]  }
0x46: {  	s4 =	sand.u32 $0x380, s4;
	s16 =	sshll.u32 s14, $0x7;
	s2 =	sshra.s32 s2, $0x2  }
0x47: {  	s22 =	simm.s32 $0x20;
	s11 =	sshra.s32 s11, $0x2;
	s1 =	sor.u32 s1, s2  }
0x48: {  	s2 =	sshra.s32 s15, $0x2;
	s15 =	sand.u32 $0x1C00, s19;
	s4 =	sor.u32 s4, s11;
	v2 =	vadd.f32 v3, v2  }
0x49: {  	s9 =	sadd.s32 $0x200, s1;
	s1 =	sand.u32 $0x380, s16;
	s12 =	spop (v2sf);
	(v2sf) =	vpush v0, $0x3  }
0x4a: {  	s16 =	sand.u32 $0x70, s20;
	s21 =	sadd.s32 s15, s31;
	s14 =	sadd.s32 s15, s17;
	v2 =	vadd.f32 v4, v2  }
0x4b: {  	s1 =	sor.u32 s1, s2;
	v3 =	vld [tilespmem:s0+$0x80];
	s23 =	sadd.s32 s25, s9;
	s14 =	sadd.s32 s16, s14  }
0x4c: {  	s5 =	sadd.s32 s15, s18;
	s10 =	sadd.s32 $0x4A00, s1;
	s1 =	sadd.s32 s24, s23;
	v5 =	vld [tilespmem:s14+$0x0];
	[tilespmem:s0+$0x0] =	vst v2  }
0x4d: {  	s2 =	sadd.s32 s16, s21;
	s19 =	sshrl.u32 s12, $0x3;
	s26 =	sadd.s32 s25, s10;
	v2 =	vld [tilespmem:s1+$0x0]  }
0x4e: {  	s11 =	sadd.s32 $0x200, s4;
	s13 =	smul.u32 $0x6000, s19;
	v4 =	vld [tilespmem:s2+$0x0];
	s1 =	sadd.s32 s24, s26  }
0x4f: {  	s7 =	sadd.s32 s16, s5;
	s21 =	simm.s32 $0x100;
	s5 =	sadd.s32 s25, s11;
	v6 =	vld [tilespmem:s1+$0x0]  }
0x50: {  	v7 =	vld [tilespmem:s7+$0x0];
	s19 =	sshll.u32 s12, $0x7;
	s20 =	sshra.s32 s13, $0x2;
	s26 =	sshrl.u32 s8, $0x3  }
0x51: {  	s8 =	sshll.u32 s8, $0x7;
	s1 =	sand.u32 $0x380, s19;
	s19 =	sand.u32 $0x70, s22  }
0x52: {  	s14 =	smul.u32 $0x6000, s26;
	s1 =	sor.u32 s1, s20;
	s20 =	sand.u32 $0x1C00, s21;
	v2 =	vadd.f32 v2, v3  }
0x53: {  	s8 =	sand.u32 $0x380, s8;
	s21 =	sadd.s32 s15, s9;
	s23 =	sadd.s32 s20, s31;
	v3 =	vadd.f32 v5, v4;
	v4 =	vld [tilespmem:s0+$0x100]  }
0x54: {  	s12 =	sadd.s32 $0x4A00, s1;
	s22 =	sadd.s32 s20, s17;
	s4 =	sadd.s32 s19, s23;
	v5 =	vld [tilespmem:s2+$0x80];
	v2 =	vadd.f32 v6, v2  }
0x55: {  	s1 =	sadd.s32 s24, s5;
	s7 =	sadd.s32 s16, s21;
	s26 =	sadd.s32 s19, s22;
	v8 =	vld [tilespmem:s4+$0x0];
	v3 =	vadd.f32 v7, v3  }
0x56: {  	s14 =	sshra.s32 s14, $0x2;
	s5 =	sadd.s32 s15, s10;
	s13 =	sadd.s32 s25, s12;
	v9 =	vld [tilespmem:s26+$0x0];
	[tilespmem:s0+$0x80] =	vst v2  }
0x57: {  	s14 =	sor.u32 s8, s14;
	s23 =	sadd.s32 s24, s13;
	s26 =	simm.s32 $0x180;
	[tilespmem:s2+$0x0] =	vst v3;
	v6 =	vld [tilespmem:s1+$0x0]  }
0x58: {  	s8 =	sand.u32 $0x1C00, s26;
	v3 =	vld [tilespmem:s7+$0x0];
	s1 =	spop (v2sf);
	s7 =	sadd.s32 s16, s5  }
0x59: {  	v7 =	vld [tilespmem:s23+$0x0];
	s5 =	sadd.s32 s20, s18;
	s23 =	simm.s32 $0x30;
	s13 =	sshrl.u32 s1, $0x3  }
0x5a: {  	v10 =	vld [tilespmem:s7+$0x0];
	s22 =	sadd.s32 s19, s5;
	s21 =	sand.u32 $0x70, s23;
	s7 =	sadd.s32 s8, s17  }
0x5b: {  	v2 =	vld [tilespmem:s0+$0x180];
	s5 =	smul.u32 $0x6000, s13;
	s13 =	sadd.s32 s21, s7;
	s7 =	sadd.s32 s8, s31  }
0x5c: {  	v11 =	vld [tilespmem:s22+$0x0];
	s22 =	sadd.s32 $0x200, s14;
	s14 =	sadd.s32 s21, s7;
	v4 =	vadd.f32 v6, v4  }
0x5d: {  	v9 =	vadd.f32 v9, v8;
	s1 =	sshll.u32 s1, $0x7;
	v8 =	vld [tilespmem:s14+$0x0];
	v5 =	vadd.f32 v3, v5  }
0x5e: {  	s1 =	sand.u32 $0x380, s1;
	s5 =	sshra.s32 s5, $0x2;
	v3 =	vld [tilespmem:s2+$0x100];
	v4 =	vadd.f32 v7, v4  }
0x5f: {  	s23 =	sadd.s32 s25, s22;
	s1 =	sor.u32 s1, s5;
	v6 =	vld [tilespmem:s4+$0x80];
	v5 =	vadd.f32 v10, v5  }
0x60: {  	s5 =	sadd.s32 s15, s11;
	v7 =	vld [tilespmem:s13+$0x0];
	s13 =	sadd.s32 s24, s23;
	s23 =	sadd.s32 $0x4A00, s1;
	[tilespmem:s0+$0x100] =	vst v4  }
0x61: {  	v10 =	vadd.f32 v11, v9;
	s1 =	sadd.s32 s16, s5;
	s7 =	sadd.s32 s25, s23;
	[tilespmem:s2+$0x80] =	vst v5;
	v4 =	vld [tilespmem:s13+$0x0]  }
0x62: {  	s5 =	sadd.s32 s24, s7;
	v9 =	vld [tilespmem:s1+$0x0];
	s13 =	sadd.s32 s20, s9  }
0x63: {  	s25 =	sadd.s32 s15, s12;
	[tilespmem:s4+$0x0] =	vst v10;
	v5 =	vld [tilespmem:s5+$0x0];
	s1 =	sadd.s32 s19, s13  }
0x64: {  	s24 =	simm.s32 $0x40;
	s25 =	sadd.s32 s16, s25;
	v10 =	vld [tilespmem:s1+$0x0];
	s1 =	sadd.s32 s20, s10  }
.LBB2_3:
0x65: {  	p0 =	sne.s32 s24, $0x2F0;
	s1 =	sadd.s32 s19, s1;
	v11 =	vld [tilespmem:s25+$0x0];
	s5 =	smov.u32 s16  }
0x66: {  	s13 =	sadd.s32 s8, s18;
	s16 =	smov.u32 s19;
	s19 =	smov.u32 s21;
	v12 =	vld [tilespmem:s1+$0x0];
	v4 =	vadd.f32 v4, v2  }
0x67: {  	s26 =	sadd.s32 $0x80, s26;
	s1 =	sadd.s32 s19, s13;
	s13 =	smov.u32 s4;
	v2 =	vld [tilespmem:s2+$0x180]  }
0x68: {  	s25 =	sand.u32 $0x1C00, s26;
	s4 =	smov.u32 s14;
	v9 =	vadd.f32 v9, v3;
	v13 =	vld [tilespmem:s1+$0x0];
	v4 =	vadd.f32 v5, v4  }
0x69: {  	s21 =	sand.u32 $0x70, s24;
	s1 =	sadd.s32 s25, s31;
	v5 =	vadd.f32 v10, v6;
	v3 =	vld [tilespmem:s13+$0x100]  }
0x6a: {  	s14 =	sadd.s32 s21, s1;
	s1 =	sadd.s32 s25, s17;
	v6 =	vld [tilespmem:s4+$0x80];
	v9 =	vadd.f32 v11, v9;
	[tilespmem:s0+$0x180] =	vst v4;
	s0 =	smov.u32 s2  }
0x6b: {  	s7 =	sadd.s32 s15, s22;
	s1 =	sadd.s32 s21, s1;
	v4 =	vadd.f32 v7, v8;
	s2 =	smov.u32 s13;
	v8 =	vld [tilespmem:s14+$0x0];
	v5 =	vadd.f32 v12, v5  }
.Ltmp0:
0x6c: {  	s7 =	sadd.s32 s5, s7;
	v7 =	vld [tilespmem:s1+$0x0];
	s1 =	sadd.s32 s20, s11;
	[tilespmem:s0+$0x100] =	vst v9;
	(pc) =	sbr.rel @p0 .LBB2_3-.Ltmp0, $4  }
0x6d: {  	v10 =	vadd.f32 v13, v4;
	[tilespmem:s2+$0x80] =	vst v5;
	s1 =	sadd.s32 s16, s1;
	v4 =	vld [tilespmem:s7+$0x0];
	s7 =	sadd.s32 s15, s23;
	s15 =	smov.u32 s20  }
0x6e: {  	s13 =	sadd.s32 s8, s9;
	s20 =	smov.u32 s8;
	v9 =	vld [tilespmem:s1+$0x0];
	s1 =	sadd.s32 s5, s7  }
0x6f: {  	s8 =	smov.u32 s25;
	s5 =	sadd.s32 s19, s13;
	s7 =	sadd.s32 s15, s12;
	[tilespmem:s4+$0x0] =	vst v10;
	v5 =	vld [tilespmem:s1+$0x0]  }
0x70: {  	s24 =	sadd.s32 $0x10, s24;
	s1 =	sadd.s32 s20, s10;
	s25 =	sadd.s32 s16, s7;
	v10 =	vld [tilespmem:s5+$0x0]  }
0x71: {  	s5 =	sadd.s32 s8, s18  }
0x72: {  	s5 =	sadd.s32 s21, s5  }
0x73: {  	v11 =	vld [tilespmem:s5+$0x0];
	_ =	sdelay $0x2  }
0x74: {  	v7 =	vadd.f32 v7, v8;
	_ =	sdelay $0x1  }
0x75: {  	v7 =	vadd.f32 v11, v7  }
0x76: {  	s24 =	sadd.s32 s8, s9  }
0x77: {  	v8 =	vld [tilespmem:s14+$0x80];
	s5 =	sadd.s32 s21, s24;
	[tilespmem:s14+$0x0] =	vst v7  }
0x78: {  	s1 =	sadd.s32 s19, s1;
	s26 =	sadd.s32 s8, s10;
	v7 =	vld [tilespmem:s5+$0x0]  }
0x79: {  	s7 =	sadd.s32 s21, s26;
	v11 =	vld [tilespmem:s1+$0x0]  }
0x7a: {  	v12 =	vld [tilespmem:s7+$0x0];
	_ =	sdelay $0x1  }
0x7b: {  	(v2sf) =	vpush v1, $0x4;
	v6 =	vadd.f32 v10, v6  }
0x7c: {  	(v2sf) =	vpush v1, $0x5;
	v7 =	vadd.f32 v7, v8  }
0x7d: {  	(v2sf) =	vpush v1, $0x6;
	v10 =	vld [tilespmem:s4+$0x100];
	v6 =	vadd.f32 v11, v6  }
0x7e: {  	s9 =	sadd.s32 s20, s11;
	(v2sf) =	vpush v1, $0x7;
	v8 =	vld [tilespmem:s25+$0x0];
	v7 =	vadd.f32 v12, v7  }
0x7f: {  	s10 =	sadd.s32 s8, s11;
	(v2sf) =	vpush v0, $0x4;
	s1 =	sadd.s32 s19, s9;
	[tilespmem:s4+$0x80] =	vst v6;
	v6 =	vld [tilespmem:s14+$0x100]  }
0x80: {  	s11 =	sadd.s32 s20, s12;
	(v2sf) =	vpush v0, $0x5;
	s5 =	sadd.s32 s21, s10;
	v11 =	vld [tilespmem:s1+$0x0];
	[tilespmem:s14+$0x80] =	vst v7  }
0x81: {  	s12 =	sadd.s32 s8, s12;
	v3 =	vadd.f32 v9, v3;
	s1 =	sadd.s32 s19, s11;
	v7 =	vld [tilespmem:s5+$0x0]  }
0x82: {  	s13 =	sadd.s32 s21, s12;
	v9 =	vld [tilespmem:s1+$0x0]  }
0x83: {  	v3 =	vadd.f32 v8, v3;
	v8 =	vld [tilespmem:s13+$0x0]  }
0x84: {  	s17 =	sadd.s32 s15, s22  }
0x85: {  	v62 =	vld [tilespmem:s2+$0x180];
	s1 =	sadd.s32 s16, s17;
	[tilespmem:s2+$0x100] =	vst v3;
	v3 =	vadd.f32 v11, v10  }
0x86: {  	s18 =	sadd.s32 s15, s23;
	v10 =	vld [tilespmem:s1+$0x0];
	v6 =	vadd.f32 v7, v6  }
0x87: {  	s24 =	sadd.s32 s16, s18;
	v3 =	vadd.f32 v9, v3;
	v9 =	vld [tilespmem:s4+$0x180]  }
0x88: {  	s25 =	sadd.s32 s20, s22;
	v7 =	vld [tilespmem:s24+$0x0];
	v6 =	vadd.f32 v8, v6  }
0x89: {  	s26 =	sadd.s32 s8, s22;
	s7 =	sadd.s32 s20, s23;
	s1 =	sadd.s32 s19, s25;
	[tilespmem:s4+$0x100] =	vst v3;
	v3 =	vld [tilespmem:s14+$0x180]  }
0x8a: {  	s5 =	sadd.s32 s21, s26;
	v8 =	vld [tilespmem:s1+$0x0];
	s1 =	sadd.s32 s19, s7;
	s7 =	spop (v2sf);
	[tilespmem:s14+$0x100] =	vst v6  }
0x8b: {  	s9 =	sadd.s32 s8, s23;
	s10 =	spop (v2sf);
	v6 =	vld [tilespmem:s5+$0x0]  }
0x8c: {  	s18 =	sadd.s32 s21, s9;
	(v2sf) =	vpush v0, $0x6;
	v11 =	vld [tilespmem:s1+$0x0];
	s19 =	sshrl.u32 s7, $0x3;
	s11 =	spop (v2sf)  }
0x8d: {  	v2 =	vadd.f32 v4, v2;
	s21 =	sshll.u32 s7, $0x7;
	s20 =	smul.u32 $0x6000, s19;
	v4 =	vld [tilespmem:s18+$0x0];
	s8 =	spop (v2sf)  }
0x8e: {  	s26 =	simm.s32 $0x0;
	v10 =	vadd.f32 v10, v62;
	s5 =	sand.u32 $0x380, s21;
	s22 =	spop (v2sf)  }
0x8f: {  	v2 =	vadd.f32 v5, v2;
	s18 =	sshll.u32 s10, $0x7;
	s1 =	sshra.s32 s20, $0x2;
	v5 =	vadd.f32 v8, v9;
	s23 =	spop (v2sf)  }
0x90: {  	v7 =	vadd.f32 v7, v10;
	s1 =	sor.u32 s5, s1;
	s24 =	sshrl.u32 s22, $0x3;
	s25 =	sshll.u32 s22, $0x7;
	v3 =	vadd.f32 v6, v3  }
0x91: {  	[tilespmem:s0+$0x180] =	vst v2;
	s22 =	simm.s32 $0x80;
	s5 =	smul.u32 $0x6000, s24;
	s17 =	sadd.s32 $0x200, s1;
	v2 =	vadd.f32 v11, v5  }
0x92: {  	[tilespmem:s2+$0x180] =	vst v7;
	s0 =	sand.u32 $0x380, s25;
	s24 =	sand.u32 $0x1C00, s26;
	s25 =	sand.u32 $0x70, s26;
	v3 =	vadd.f32 v4, v3  }
0x93: {  	s15 =	sshrl.u32 s23, $0x3;
	s12 =	sadd.s32 s24, s31;
	s5 =	sshra.s32 s5, $0x2;
	[tilespmem:s4+$0x180] =	vst v2  }
0x94: {  	s13 =	sadd.s32 s24, s17;
	s1 =	sor.u32 s0, s5;
	s0 =	sadd.s32 s25, s12;
	[tilespmem:s14+$0x180] =	vst v3  }
0x95: {  	s20 =	sshll.u32 s23, $0x7;
	s2 =	sadd.s32 s25, s13;
	s19 =	sadd.s32 $0x4A00, s1;
	v2 =	vld [tilespmem:s0+$0x200]  }
0x96: {  	s23 =	sshrl.u32 s11, $0x3;
	s26 =	simm.s32 $0x10;
	s16 =	sadd.s32 s24, s19;
	v3 =	vld [tilespmem:s2+$0x0]  }
0x97: {  	s21 =	sand.u32 $0x380, s20;
	s4 =	smul.u32 $0x6000, s15;
	s2 =	sadd.s32 s25, s16  }
0x98: {  	s5 =	sand.u32 $0x380, s18;
	s12 =	smul.u32 $0x6000, s23;
	s14 =	sshrl.u32 s10, $0x3;
	v4 =	vld [tilespmem:s2+$0x0]  }
0x99: {  	s15 =	sand.u32 $0x1C00, s22;
	s4 =	sshra.s32 s4, $0x2;
	s1 =	smul.u32 $0x6000, s14  }
0x9a: {  	s16 =	sand.u32 $0x70, s26;
	s14 =	sadd.s32 s15, s17;
	s2 =	sor.u32 s21, s4  }
0x9b: {  	s21 =	sadd.s32 s15, s19;
	s1 =	sshra.s32 s1, $0x2;
	s7 =	spop (v2sf);
	v2 =	vadd.f32 v3, v2  }
0x9c: {  	s9 =	sadd.s32 $0x4A00, s2;
	(v2sf) =	vpush v0, $0x7;
	s23 =	sadd.s32 s16, s21;
	s1 =	sor.u32 s5, s1  }
0x9d: {  	s5 =	sshll.u32 s11, $0x7;
	s11 =	sadd.s32 s15, s31;
	v7 =	vld [tilespmem:s23+$0x0];
	s10 =	sadd.s32 $0x200, s1;
	v2 =	vadd.f32 v4, v2  }
0x9e: {  	s2 =	sadd.s32 s16, s11;
	s11 =	sadd.s32 s16, s14;
	v3 =	vld [tilespmem:s0+$0x280];
	s13 =	sadd.s32 s24, s10  }
0x9f: {  	s21 =	sshrl.u32 s8, $0x3;
	v5 =	vld [tilespmem:s11+$0x0];
	s4 =	sadd.s32 s25, s13;
	[tilespmem:s0+$0x200] =	vst v2  }
0xa0: {  	s18 =	sadd.s32 s24, s9;
	s20 =	sshrl.u32 s7, $0x3;
	s26 =	sshll.u32 s7, $0x7;
	v2 =	vld [tilespmem:s4+$0x0]  }
0xa1: {  	s7 =	simm.s32 $0x100;
	s23 =	sshll.u32 s8, $0x7;
	v4 =	vld [tilespmem:s2+$0x200];
	s4 =	sadd.s32 s25, s18  }
0xa2: {  	s1 =	sand.u32 $0x380, s5;
	s5 =	sshra.s32 s12, $0x2;
	s22 =	smul.u32 $0x6000, s20;
	v6 =	vld [tilespmem:s4+$0x0]  }
0xa3: {  	s20 =	sand.u32 $0x1C00, s7;
	s1 =	sor.u32 s1, s5;
	s11 =	simm.s32 $0x20  }
0xa4: {  	s12 =	sadd.s32 $0x200, s1;
	s1 =	sand.u32 $0x380, s26;
	s5 =	sshra.s32 s22, $0x2  }
0xa5: {  	s13 =	sadd.s32 s20, s31;
	s22 =	sadd.s32 s20, s17;
	s18 =	sand.u32 $0x70, s11;
	v2 =	vadd.f32 v2, v3  }
0xa6: {  	s1 =	sor.u32 s1, s5;
	s5 =	smul.u32 $0x6000, s21;
	s4 =	sadd.s32 s18, s13;
	v4 =	vadd.f32 v5, v4;
	v5 =	vld [tilespmem:s2+$0x280]  }
0xa7: {  	s7 =	sand.u32 $0x380, s23;
	s14 =	sadd.s32 $0x4A00, s1;
	s1 =	sadd.s32 s18, s22;
	v8 =	vld [tilespmem:s4+$0x200];
	v2 =	vadd.f32 v6, v2  }
0xa8: {  	s23 =	sadd.s32 s15, s9;
	s26 =	sadd.s32 s24, s12;
	s5 =	sshra.s32 s5, $0x2;
	v9 =	vld [tilespmem:s1+$0x0];
	v4 =	vadd.f32 v7, v4  }
0xa9: {  	s11 =	sadd.s32 s25, s26;
	s13 =	sadd.s32 s15, s10;
	s22 =	sadd.s32 s24, s14;
	v3 =	vld [tilespmem:s0+$0x300];
	[tilespmem:s0+$0x280] =	vst v2  }
0xaa: {  	s5 =	sor.u32 s7, s5;
	s21 =	sadd.s32 s16, s13;
	s8 =	sadd.s32 s25, s22;
	[tilespmem:s2+$0x200] =	vst v4;
	v6 =	vld [tilespmem:s11+$0x0]  }
0xab: {  	s1 =	sadd.s32 s16, s23;
	v4 =	vld [tilespmem:s21+$0x0];
	s26 =	spop (v2sf);
	s21 =	sadd.s32 s20, s19  }
0xac: {  	s13 =	sshrl.u32 s26, $0x3;
	s22 =	sshll.u32 s26, $0x7;
	s26 =	simm.s32 $0x180;
	v7 =	vld [tilespmem:s8+$0x0]  }
0xad: {  	s23 =	simm.s32 $0x30;
	v10 =	vld [tilespmem:s1+$0x0];
	s7 =	sadd.s32 s18, s21;
	s21 =	sand.u32 $0x1C00, s26  }
0xae: {  	v2 =	vld [tilespmem:s0+$0x380];
	s1 =	sand.u32 $0x380, s22;
	s22 =	sand.u32 $0x70, s23;
	s23 =	sadd.s32 s21, s17  }
0xaf: {  	v11 =	vld [tilespmem:s7+$0x0];
	s8 =	sadd.s32 $0x200, s5;
	s5 =	smul.u32 $0x6000, s13;
	s7 =	sadd.s32 s22, s23;
	v63 =	vadd.f32 v6, v3  }
0xb0: {  	v9 =	vadd.f32 v9, v8;
	v4 =	vadd.f32 v4, v5;
	v8 =	vld [tilespmem:s7+$0x0]  }
0xb1: {  	s13 =	sadd.s32 s21, s31;
	s5 =	sshra.s32 s5, $0x2;
	v3 =	vld [tilespmem:s2+$0x300];
	v5 =	vadd.f32 v7, v63  }
0xb2: {  	s11 =	sadd.s32 s22, s13;
	s13 =	sadd.s32 s24, s8;
	s1 =	sor.u32 s1, s5;
	v4 =	vadd.f32 v10, v4;
	v6 =	vld [tilespmem:s4+$0x280]  }
0xb3: {  	s7 =	sadd.s32 s25, s13;
	s5 =	sadd.s32 s15, s12;
	s23 =	sadd.s32 $0x4A00, s1;
	v7 =	vld [tilespmem:s11+$0x200];
	[tilespmem:s0+$0x300] =	vst v5  }
0xb4: {  	s1 =	sadd.s32 s16, s5;
	s13 =	sadd.s32 s24, s23;
	[tilespmem:s2+$0x280] =	vst v4;
	v5 =	vadd.f32 v11, v9;
	v4 =	vld [tilespmem:s7+$0x0]  }
0xb5: {  	s24 =	sadd.s32 s20, s10;
	s5 =	sadd.s32 s25, s13;
	v9 =	vld [tilespmem:s1+$0x0]  }
0xb6: {  	s13 =	sadd.s32 s18, s24;
	s25 =	sadd.s32 s15, s14;
	[tilespmem:s4+$0x200] =	vst v5;
	v5 =	vld [tilespmem:s5+$0x0]  }
0xb7: {  	s24 =	simm.s32 $0x40;
	s25 =	sadd.s32 s16, s25;
	s1 =	sadd.s32 s20, s9;
	v10 =	vld [tilespmem:s13+$0x0]  }
.LBB2_5:
0xb8: {  	p0 =	sne.s32 s24, $0x2F0;
	s1 =	sadd.s32 s18, s1;
	v11 =	vld [tilespmem:s25+$0x0];
	s5 =	smov.u32 s16  }
0xb9: {  	s7 =	sadd.s32 s21, s19;
	s16 =	smov.u32 s18;
	s18 =	smov.u32 s22;
	v12 =	vld [tilespmem:s1+$0x0];
	v4 =	vadd.f32 v4, v2  }
0xba: {  	s26 =	sadd.s32 $0x80, s26;
	s1 =	sadd.s32 s18, s7;
	s7 =	smov.u32 s4;
	v2 =	vld [tilespmem:s2+$0x380]  }
0xbb: {  	s13 =	sand.u32 $0x1C00, s26;
	s4 =	smov.u32 s11;
	v9 =	vadd.f32 v9, v3;
	v13 =	vld [tilespmem:s1+$0x0];
	v4 =	vadd.f32 v5, v4  }
0xbc: {  	s22 =	sand.u32 $0x70, s24;
	s1 =	sadd.s32 s13, s31;
	v5 =	vadd.f32 v10, v6;
	v3 =	vld [tilespmem:s7+$0x300]  }
0xbd: {  	s11 =	sadd.s32 s22, s1;
	s1 =	sadd.s32 s13, s17;
	v6 =	vld [tilespmem:s4+$0x280];
	v9 =	vadd.f32 v11, v9;
	[tilespmem:s0+$0x380] =	vst v4;
	s0 =	smov.u32 s2  }
0xbe: {  	s25 =	sadd.s32 s15, s8;
	s1 =	sadd.s32 s22, s1;
	v4 =	vadd.f32 v8, v7;
	s2 =	smov.u32 s7;
	v7 =	vld [tilespmem:s11+$0x200];
	v5 =	vadd.f32 v12, v5  }
.Ltmp1:
0xbf: {  	s7 =	sadd.s32 s5, s25;
	v8 =	vld [tilespmem:s1+$0x0];
	s1 =	sadd.s32 s20, s12;
	[tilespmem:s0+$0x300] =	vst v9;
	(pc) =	sbr.rel @p0 .LBB2_5-.Ltmp1, $4  }
0xc0: {  	v10 =	vadd.f32 v13, v4;
	[tilespmem:s2+$0x280] =	vst v5;
	s1 =	sadd.s32 s16, s1;
	v4 =	vld [tilespmem:s7+$0x0];
	s7 =	sadd.s32 s15, s23;
	s15 =	smov.u32 s20  }
0xc1: {  	s25 =	sadd.s32 s21, s10;
	s20 =	smov.u32 s21;
	v9 =	vld [tilespmem:s1+$0x0];
	s1 =	sadd.s32 s5, s7  }
0xc2: {  	s21 =	smov.u32 s13;
	s5 =	sadd.s32 s18, s25;
	s7 =	sadd.s32 s15, s14;
	[tilespmem:s4+$0x200] =	vst v10;
	v5 =	vld [tilespmem:s1+$0x0]  }
0xc3: {  	s24 =	sadd.s32 $0x10, s24;
	s1 =	sadd.s32 s20, s9;
	s25 =	sadd.s32 s16, s7;
	v10 =	vld [tilespmem:s5+$0x0]  }
0xc4: {  	s5 =	sadd.s32 s21, s19  }
0xc5: {  	s5 =	sadd.s32 s22, s5  }
0xc6: {  	v11 =	vld [tilespmem:s5+$0x0];
	_ =	sdelay $0x2  }
0xc7: {  	v7 =	vadd.f32 v8, v7;
	_ =	sdelay $0x1  }
0xc8: {  	v7 =	vadd.f32 v11, v7  }
0xc9: {  	s24 =	sadd.s32 s21, s10  }
0xca: {  	v8 =	vld [tilespmem:s11+$0x280];
	s5 =	sadd.s32 s22, s24;
	[tilespmem:s11+$0x200] =	vst v7  }
0xcb: {  	s1 =	sadd.s32 s18, s1;
	s26 =	sadd.s32 s21, s9;
	v7 =	vld [tilespmem:s5+$0x0]  }
0xcc: {  	s7 =	sadd.s32 s22, s26;
	v11 =	vld [tilespmem:s1+$0x0]  }
0xcd: {  	v12 =	vld [tilespmem:s7+$0x0]  }
0xce: {  	(v2sf) =	vpush v1, $0x8  }
0xcf: {  	v6 =	vadd.f32 v10, v6  }
0xd0: {  	(v2sf) =	vpush v1, $0x9;
	v7 =	vadd.f32 v7, v8  }
0xd1: {  	(v2sf) =	vpush v1, $0xA;
	v10 =	vld [tilespmem:s4+$0x300];
	v6 =	vadd.f32 v11, v6  }
0xd2: {  	s9 =	sadd.s32 s20, s12;
	(v2sf) =	vpush v1, $0xB;
	v8 =	vld [tilespmem:s25+$0x0];
	v7 =	vadd.f32 v12, v7  }
0xd3: {  	s10 =	sadd.s32 s21, s12;
	(v2sf) =	vpush v0, $0x8;
	s1 =	sadd.s32 s18, s9;
	[tilespmem:s4+$0x280] =	vst v6;
	v6 =	vld [tilespmem:s11+$0x300]  }
0xd4: {  	s12 =	sadd.s32 s20, s14;
	(v2sf) =	vpush v0, $0x9;
	s5 =	sadd.s32 s22, s10;
	v11 =	vld [tilespmem:s1+$0x0];
	[tilespmem:s11+$0x280] =	vst v7  }
0xd5: {  	s13 =	sadd.s32 s21, s14;
	v3 =	vadd.f32 v9, v3;
	s1 =	sadd.s32 s18, s12;
	v7 =	vld [tilespmem:s5+$0x0]  }
0xd6: {  	s14 =	sadd.s32 s22, s13;
	v9 =	vld [tilespmem:s1+$0x0]  }
0xd7: {  	v3 =	vadd.f32 v8, v3;
	v8 =	vld [tilespmem:s14+$0x0]  }
0xd8: {  	s17 =	sadd.s32 s15, s8  }
0xd9: {  	v62 =	vld [tilespmem:s2+$0x380];
	s1 =	sadd.s32 s16, s17;
	[tilespmem:s2+$0x300] =	vst v3;
	v3 =	vadd.f32 v11, v10  }
0xda: {  	s19 =	sadd.s32 s15, s23;
	v10 =	vld [tilespmem:s1+$0x0];
	v6 =	vadd.f32 v7, v6  }
0xdb: {  	s24 =	sadd.s32 s16, s19;
	v3 =	vadd.f32 v9, v3;
	v9 =	vld [tilespmem:s4+$0x380]  }
0xdc: {  	s25 =	sadd.s32 s20, s8;
	v7 =	vld [tilespmem:s24+$0x0];
	v6 =	vadd.f32 v8, v6  }
0xdd: {  	s26 =	sadd.s32 s21, s8;
	s7 =	spop (v2sf);
	(v2sf) =	vpush v0, $0xA;
	s1 =	sadd.s32 s18, s25;
	[tilespmem:s4+$0x300] =	vst v3;
	v3 =	vld [tilespmem:s11+$0x380]  }
0xde: {  	s3 =	sadd.s32 $0x7A00, s3;
	s8 =	sadd.s32 s20, s23;
	s5 =	sadd.s32 s22, s26;
	v8 =	vld [tilespmem:s1+$0x0];
	[tilespmem:s11+$0x300] =	vst v6  }
0xdf: {  	s9 =	sadd.s32 s21, s23;
	s10 =	spop (v2sf);
	s1 =	sadd.s32 s18, s8;
	v6 =	vld [tilespmem:s5+$0x0]  }
0xe0: {  	s19 =	sshrl.u32 s7, $0x3;
	s12 =	spop (v2sf);
	s18 =	sadd.s32 s22, s9;
	v11 =	vld [tilespmem:s1+$0x0]  }
0xe1: {  	v2 =	vadd.f32 v4, v2;
	s7 =	sshll.u32 s7, $0x7;
	s20 =	smul.u32 $0x6000, s19;
	s8 =	spop (v2sf);
	v4 =	vld [tilespmem:s18+$0x0]  }
0xe2: {  	s7 =	sand.u32 $0x380, s7;
	s26 =	simm.s32 $0x0;
	s21 =	spop (v2sf);
	v10 =	vadd.f32 v10, v62  }
0xe3: {  	v2 =	vadd.f32 v5, v2;
	s14 =	sshrl.u32 s10, $0x3;
	s1 =	sshra.s32 s20, $0x2;
	s22 =	spop (v2sf);
	v5 =	vadd.f32 v8, v9  }
0xe4: {  	s1 =	sor.u32 s7, s1;
	s23 =	sshrl.u32 s21, $0x3;
	s24 =	sshll.u32 s21, $0x7;
	v7 =	vadd.f32 v7, v10;
	v3 =	vadd.f32 v6, v3  }
0xe5: {  	[tilespmem:s0+$0x380] =	vst v2;
	s25 =	smul.u32 $0x6000, s23;
	s17 =	sadd.s32 $0x200, s1;
	s0 =	sand.u32 $0x380, s24;
	v2 =	vadd.f32 v11, v5  }
0xe6: {  	s24 =	sand.u32 $0x1C00, s26;
	s15 =	sshrl.u32 s22, $0x3;
	s18 =	sshll.u32 s10, $0x7;
	[tilespmem:s2+$0x380] =	vst v7;
	v3 =	vadd.f32 v4, v3  }
0xe7: {  	s7 =	sadd.s32 s24, s3;
	s5 =	sshra.s32 s25, $0x2;
	s25 =	sand.u32 $0x70, s26;
	[tilespmem:s4+$0x380] =	vst v2  }
0xe8: {  	s13 =	sadd.s32 s24, s17;
	s1 =	sor.u32 s0, s5;
	s0 =	sadd.s32 s25, s7;
	[tilespmem:s11+$0x380] =	vst v3  }
0xe9: {  	s20 =	sshll.u32 s22, $0x7;
	s2 =	sadd.s32 s25, s13;
	s19 =	sadd.s32 $0x4A00, s1;
	v2 =	vld [tilespmem:s0+$0x0]  }
0xea: {  	s22 =	simm.s32 $0x80;
	s23 =	sshrl.u32 s12, $0x3;
	s16 =	sadd.s32 s24, s19;
	v3 =	vld [tilespmem:s2+$0x0]  }
0xeb: {  	s21 =	sand.u32 $0x380, s20;
	s1 =	smul.u32 $0x6000, s14;
	s2 =	sadd.s32 s25, s16  }
0xec: {  	s26 =	simm.s32 $0x10;
	s5 =	sand.u32 $0x380, s18;
	s7 =	spop (v2sf);
	v4 =	vld [tilespmem:s2+$0x0]  }
0xed: {  	s4 =	smul.u32 $0x6000, s15;
	s1 =	sshra.s32 s1, $0x2;
	s15 =	sand.u32 $0x1C00, s22  }
0xee: {  	s1 =	sor.u32 s5, s1;
	s5 =	sshll.u32 s12, $0x7;
	s12 =	smul.u32 $0x6000, s23  }
0xef: {  	(v2sf) =	vpush v0, $0xB;
	s14 =	sadd.s32 s15, s17;
	s4 =	sshra.s32 s4, $0x2;
	s10 =	sadd.s32 $0x200, s1;
	v2 =	vadd.f32 v3, v2  }
0xf0: {  	s11 =	sadd.s32 s15, s3;
	s16 =	sand.u32 $0x70, s26;
	s2 =	sor.u32 s21, s4  }
0xf1: {  	s9 =	sadd.s32 $0x4A00, s2;
	s2 =	sadd.s32 s16, s11;
	s11 =	sadd.s32 s16, s14;
	v2 =	vadd.f32 v4, v2  }
0xf2: {  	s20 =	sshrl.u32 s7, $0x3;
	s13 =	sadd.s32 s24, s10;
	v5 =	vld [tilespmem:s11+$0x0]  }
0xf3: {  	s1 =	sand.u32 $0x380, s5;
	s5 =	sshra.s32 s12, $0x2;
	s4 =	sadd.s32 s25, s13;
	v3 =	vld [tilespmem:s0+$0x80];
	[tilespmem:s0+$0x0] =	vst v2  }
0xf4: {  	s22 =	smul.u32 $0x6000, s20;
	s1 =	sor.u32 s1, s5;
	s18 =	sadd.s32 s24, s9;
	v2 =	vld [tilespmem:s4+$0x0]  }
0xf5: {  	s26 =	sshll.u32 s7, $0x7;
	s21 =	sadd.s32 s15, s19;
	v4 =	vld [tilespmem:s2+$0x0];
	s4 =	sadd.s32 s25, s18  }
0xf6: {  	s5 =	sshra.s32 s22, $0x2;
	s7 =	simm.s32 $0x100;
	s23 =	sadd.s32 s16, s21;
	v6 =	vld [tilespmem:s4+$0x0]  }
0xf7: {  	s12 =	sadd.s32 $0x200, s1;
	s1 =	sand.u32 $0x380, s26;
	s20 =	sand.u32 $0x1C00, s7;
	v7 =	vld [tilespmem:s23+$0x0]  }
0xf8: {  	s1 =	sor.u32 s1, s5;
	s13 =	sadd.s32 s20, s3;
	s11 =	simm.s32 $0x20  }
0xf9: {  	s21 =	sshrl.u32 s8, $0x3;
	s22 =	sadd.s32 s20, s17;
	s18 =	sand.u32 $0x70, s11;
	v2 =	vadd.f32 v2, v3  }
0xfa: {  	s26 =	sadd.s32 s24, s12;
	s5 =	smul.u32 $0x6000, s21;
	s4 =	sadd.s32 s18, s13;
	v4 =	vadd.f32 v5, v4;
	v5 =	vld [tilespmem:s2+$0x80]  }
0xfb: {  	s14 =	sadd.s32 $0x4A00, s1;
	s23 =	sshll.u32 s8, $0x7;
	s1 =	sadd.s32 s18, s22;
	v8 =	vld [tilespmem:s4+$0x0];
	v2 =	vadd.f32 v6, v2  }
0xfc: {  	s7 =	sand.u32 $0x380, s23;
	s23 =	sadd.s32 s15, s9;
	s5 =	sshra.s32 s5, $0x2;
	v9 =	vld [tilespmem:s1+$0x0];
	v4 =	vadd.f32 v7, v4  }
0xfd: {  	s5 =	sor.u32 s7, s5;
	s11 =	sadd.s32 s25, s26;
	s13 =	sadd.s32 s15, s10;
	v3 =	vld [tilespmem:s0+$0x100];
	[tilespmem:s0+$0x80] =	vst v2  }
0xfe: {  	s26 =	spop (v2sf);
	s22 =	sadd.s32 s24, s14;
	s21 =	sadd.s32 s16, s13;
	[tilespmem:s2+$0x0] =	vst v4;
	v6 =	vld [tilespmem:s11+$0x0]  }
0xff: {  	s8 =	sadd.s32 s25, s22;
	s1 =	sadd.s32 s16, s23;
	s13 =	sshrl.u32 s26, $0x3;
	v4 =	vld [tilespmem:s21+$0x0]  }
0x100: {  	s22 =	sshll.u32 s26, $0x7;
	s26 =	simm.s32 $0x180;
	s21 =	sadd.s32 s20, s19;
	v7 =	vld [tilespmem:s8+$0x0]  }
0x101: {  	s23 =	simm.s32 $0x30;
	v10 =	vld [tilespmem:s1+$0x0];
	s7 =	sadd.s32 s18, s21;
	s21 =	sand.u32 $0x1C00, s26  }
0x102: {  	s1 =	sand.u32 $0x380, s22;
	s22 =	sand.u32 $0x70, s23;
	v2 =	vld [tilespmem:s0+$0x180];
	s23 =	sadd.s32 s21, s17  }
0x103: {  	v11 =	vld [tilespmem:s7+$0x0];
	s8 =	sadd.s32 $0x200, s5;
	s5 =	smul.u32 $0x6000, s13;
	s7 =	sadd.s32 s22, s23;
	v63 =	vadd.f32 v6, v3  }
0x104: {  	v9 =	vadd.f32 v9, v8;
	v8 =	vld [tilespmem:s7+$0x0];
	v4 =	vadd.f32 v4, v5  }
0x105: {  	s13 =	sadd.s32 s21, s3;
	s5 =	sshra.s32 s5, $0x2;
	v3 =	vld [tilespmem:s2+$0x100];
	v5 =	vadd.f32 v7, v63  }
0x106: {  	s11 =	sadd.s32 s22, s13;
	s13 =	sadd.s32 s24, s8;
	s1 =	sor.u32 s1, s5;
	v4 =	vadd.f32 v10, v4;
	v6 =	vld [tilespmem:s4+$0x80]  }
0x107: {  	s7 =	sadd.s32 s25, s13;
	s5 =	sadd.s32 s15, s12;
	s23 =	sadd.s32 $0x4A00, s1;
	v7 =	vld [tilespmem:s11+$0x0];
	[tilespmem:s0+$0x100] =	vst v5  }
0x108: {  	s1 =	sadd.s32 s16, s5;
	s13 =	sadd.s32 s24, s23;
	[tilespmem:s2+$0x80] =	vst v4;
	v5 =	vadd.f32 v11, v9;
	v4 =	vld [tilespmem:s7+$0x0]  }
0x109: {  	s24 =	sadd.s32 s20, s10;
	s5 =	sadd.s32 s25, s13;
	v9 =	vld [tilespmem:s1+$0x0]  }
0x10a: {  	s13 =	sadd.s32 s18, s24;
	s25 =	sadd.s32 s15, s14;
	[tilespmem:s4+$0x0] =	vst v5;
	v5 =	vld [tilespmem:s5+$0x0]  }
0x10b: {  	s24 =	simm.s32 $0x40;
	s25 =	sadd.s32 s16, s25;
	s1 =	sadd.s32 s20, s9;
	v10 =	vld [tilespmem:s13+$0x0]  }
.LBB2_7:
0x10c: {  	p0 =	sne.s32 s24, $0x2F0;
	s1 =	sadd.s32 s18, s1;
	v11 =	vld [tilespmem:s25+$0x0];
	s5 =	smov.u32 s16  }
0x10d: {  	s7 =	sadd.s32 s21, s19;
	s16 =	smov.u32 s18;
	s18 =	smov.u32 s22;
	v12 =	vld [tilespmem:s1+$0x0];
	v4 =	vadd.f32 v4, v2  }
0x10e: {  	s26 =	sadd.s32 $0x80, s26;
	s1 =	sadd.s32 s18, s7;
	s7 =	smov.u32 s4;
	v2 =	vld [tilespmem:s2+$0x180]  }
0x10f: {  	s13 =	sand.u32 $0x1C00, s26;
	s4 =	smov.u32 s11;
	v9 =	vadd.f32 v9, v3;
	v13 =	vld [tilespmem:s1+$0x0];
	v4 =	vadd.f32 v5, v4  }
0x110: {  	s22 =	sand.u32 $0x70, s24;
	s1 =	sadd.s32 s13, s3;
	v5 =	vadd.f32 v10, v6;
	v3 =	vld [tilespmem:s7+$0x100]  }
0x111: {  	s11 =	sadd.s32 s22, s1;
	s1 =	sadd.s32 s13, s17;
	v6 =	vld [tilespmem:s4+$0x80];
	v9 =	vadd.f32 v11, v9;
	[tilespmem:s0+$0x180] =	vst v4;
	s0 =	smov.u32 s2  }
0x112: {  	s25 =	sadd.s32 s15, s8;
	s1 =	sadd.s32 s22, s1;
	v4 =	vadd.f32 v8, v7;
	s2 =	smov.u32 s7;
	v7 =	vld [tilespmem:s11+$0x0];
	v5 =	vadd.f32 v12, v5  }
.Ltmp2:
0x113: {  	s7 =	sadd.s32 s5, s25;
	v8 =	vld [tilespmem:s1+$0x0];
	s1 =	sadd.s32 s20, s12;
	[tilespmem:s0+$0x100] =	vst v9;
	(pc) =	sbr.rel @p0 .LBB2_7-.Ltmp2, $4  }
0x114: {  	v10 =	vadd.f32 v13, v4;
	[tilespmem:s2+$0x80] =	vst v5;
	s1 =	sadd.s32 s16, s1;
	v4 =	vld [tilespmem:s7+$0x0];
	s7 =	sadd.s32 s15, s23;
	s15 =	smov.u32 s20  }
0x115: {  	s25 =	sadd.s32 s21, s10;
	s20 =	smov.u32 s21;
	v9 =	vld [tilespmem:s1+$0x0];
	s1 =	sadd.s32 s5, s7  }
0x116: {  	s21 =	smov.u32 s13;
	s5 =	sadd.s32 s18, s25;
	s7 =	sadd.s32 s15, s14;
	[tilespmem:s4+$0x0] =	vst v10;
	v5 =	vld [tilespmem:s1+$0x0]  }
0x117: {  	s24 =	sadd.s32 $0x10, s24;
	s1 =	sadd.s32 s20, s9;
	s25 =	sadd.s32 s16, s7;
	v10 =	vld [tilespmem:s5+$0x0]  }
0x118: {  	s5 =	sadd.s32 s21, s19  }
0x119: {  	s5 =	sadd.s32 s22, s5  }
0x11a: {  	v11 =	vld [tilespmem:s5+$0x0];
	_ =	sdelay $0x2  }
0x11b: {  	v7 =	vadd.f32 v8, v7;
	_ =	sdelay $0x1  }
0x11c: {  	v7 =	vadd.f32 v11, v7  }
0x11d: {  	v8 =	vld [tilespmem:s11+$0x80];
	s26 =	sadd.s32 s21, s10;
	s1 =	sadd.s32 s18, s1  }
0x11e: {  	s5 =	sadd.s32 s22, s26;
	v11 =	vld [tilespmem:s1+$0x0];
	[tilespmem:s11+$0x0] =	vst v7  }
0x11f: {  	s7 =	sadd.s32 s21, s9;
	v7 =	vld [tilespmem:s5+$0x0]  }
0x120: {  	s9 =	sadd.s32 s22, s7  }
0x121: {  	v6 =	vadd.f32 v10, v6;
	v12 =	vld [tilespmem:s9+$0x0];
	_ =	sdelay $0x1  }
0x122: {  	v6 =	vadd.f32 v11, v6  }
0x123: {  	(v2sf) =	vpush v1, $0xC;
	v10 =	vld [tilespmem:s4+$0x100];
	v7 =	vadd.f32 v7, v8  }
0x124: {  	s10 =	sadd.s32 s20, s12;
	(v2sf) =	vpush v1, $0xD;
	[tilespmem:s4+$0x80] =	vst v6;
	v6 =	vld [tilespmem:s11+$0x100]  }
0x125: {  	s13 =	sadd.s32 s20, s14;
	(v2sf) =	vpush v1, $0xE;
	s1 =	sadd.s32 s18, s10;
	v8 =	vld [tilespmem:s25+$0x0];
	v7 =	vadd.f32 v12, v7  }
0x126: {  	s12 =	sadd.s32 s21, s12;
	(v2sf) =	vpush v1, $0xF;
	v1 =	vld [tilespmem:s1+$0x0];
	s1 =	sadd.s32 s18, s13  }
0x127: {  	v3 =	vadd.f32 v9, v3;
	(v2sf) =	vpush v0, $0xC;
	s5 =	sadd.s32 s22, s12;
	v9 =	vld [tilespmem:s1+$0x0];
	[tilespmem:s11+$0x80] =	vst v7  }
0x128: {  	s17 =	sadd.s32 s21, s14;
	v7 =	vld [tilespmem:s5+$0x0]  }
0x129: {  	s19 =	sadd.s32 s22, s17  }
0x12a: {  	v3 =	vadd.f32 v8, v3;
	v8 =	vld [tilespmem:s19+$0x0]  }
0x12b: {  	v1 =	vadd.f32 v1, v10  }
0x12c: {  	s24 =	sadd.s32 s15, s8;
	(v2sf) =	vpush v0, $0xD;
	v11 =	vld [tilespmem:s2+$0x180]  }
0x12d: {  	s1 =	sadd.s32 s16, s24;
	[tilespmem:s2+$0x100] =	vst v3;
	v1 =	vadd.f32 v9, v1;
	v9 =	vld [tilespmem:s4+$0x180];
	v6 =	vadd.f32 v7, v6  }
0x12e: {  	s25 =	sadd.s32 s15, s23;
	v3 =	vld [tilespmem:s1+$0x0]  }
0x12f: {  	s26 =	sadd.s32 s16, s25;
	s5 =	sadd.s32 s20, s8;
	[tilespmem:s4+$0x100] =	vst v1;
	v1 =	vld [tilespmem:s11+$0x180];
	v6 =	vadd.f32 v8, v6  }
0x130: {  	s7 =	sadd.s32 s21, s8;
	s1 =	sadd.s32 s18, s5;
	v7 =	vld [tilespmem:s26+$0x0]  }
0x131: {  	s8 =	sadd.s32 s20, s23;
	s5 =	sadd.s32 s22, s7;
	v8 =	vld [tilespmem:s1+$0x0];
	[tilespmem:s11+$0x100] =	vst v6  }
0x132: {  	s9 =	sadd.s32 s21, s23;
	s7 =	spop (v2sf);
	s1 =	sadd.s32 s18, s8;
	v6 =	vld [tilespmem:s5+$0x0]  }
0x133: {  	(v2sf) =	vpush v0, $0xE;
	s10 =	spop (v2sf);
	s18 =	sadd.s32 s22, s9;
	v10 =	vld [tilespmem:s1+$0x0]  }
0x134: {  	v2 =	vadd.f32 v4, v2;
	s13 =	simm.s32 $0x0;
	s19 =	sshrl.u32 s7, $0x3;
	s12 =	spop (v2sf);
	v4 =	vld [tilespmem:s18+$0x0]  }
0x135: {  	s24 =	sand.u32 $0x1C00, s13;
	s20 =	smul.u32 $0x6000, s19;
	s8 =	spop (v2sf);
	v3 =	vadd.f32 v3, v11  }
0x136: {  	v2 =	vadd.f32 v5, v2;
	s25 =	sand.u32 $0x70, s13;
	s21 =	sshll.u32 s7, $0x7;
	s22 =	spop (v2sf);
	v5 =	vadd.f32 v8, v9  }
0x137: {  	s1 =	sshra.s32 s20, $0x2;
	s26 =	sshrl.u32 s22, $0x3;
	s5 =	sand.u32 $0x380, s21;
	v3 =	vadd.f32 v7, v3;
	v1 =	vadd.f32 v6, v1  }
0x138: {  	[tilespmem:s0+$0x180] =	vst v2;
	s13 =	simm.s32 $0x10;
	s1 =	sor.u32 s5, s1;
	s5 =	smul.u32 $0x6000, s26;
	v2 =	vadd.f32 v10, v5  }
0x139: {  	s15 =	sadd.s32 s24, s3;
	s19 =	sshrl.u32 s10, $0x3;
	s7 =	sshll.u32 s22, $0x7;
	[tilespmem:s2+$0x180] =	vst v3;
	v1 =	vadd.f32 v4, v1  }
0x13a: {  	s0 =	sand.u32 $0x380, s7;
	s16 =	sadd.s32 $0x200, s1;
	s14 =	sshra.s32 s5, $0x2;
	[tilespmem:s4+$0x180] =	vst v2  }
0x13b: {  	s17 =	sadd.s32 s24, s16;
	s1 =	sor.u32 s0, s14;
	s0 =	sadd.s32 s25, s15;
	[tilespmem:s11+$0x180] =	vst v1  }
0x13c: {  	s23 =	spop (v2sf);
	s2 =	sadd.s32 s25, s17;
	s18 =	sadd.s32 $0x4A00, s1;
	v1 =	vld [tilespmem:s0+$0x200]  }
0x13d: {  	s22 =	sshll.u32 s10, $0x7;
	s20 =	sshrl.u32 s23, $0x3;
	s21 =	sadd.s32 s24, s18;
	v2 =	vld [tilespmem:s2+$0x0]  }
0x13e: {  	s23 =	sshll.u32 s23, $0x7;
	s1 =	smul.u32 $0x6000, s19;
	s2 =	sadd.s32 s25, s21  }
0x13f: {  	s26 =	sand.u32 $0x380, s23;
	s5 =	sand.u32 $0x380, s22;
	s4 =	smul.u32 $0x6000, s20;
	v3 =	vld [tilespmem:s2+$0x0]  }
0x140: {  	s14 =	sshll.u32 s12, $0x7;
	s15 =	sand.u32 $0x70, s13;
	s1 =	sshra.s32 s1, $0x2  }
0x141: {  	s4 =	sshra.s32 s4, $0x2;
	s1 =	sor.u32 s5, s1;
	s5 =	simm.s32 $0x80  }
0x142: {  	s7 =	spop (v2sf);
	s2 =	sor.u32 s26, s4;
	s4 =	sand.u32 $0x1C00, s5;
	v1 =	vadd.f32 v2, v1  }
0x143: {  	(v2sf) =	vpush v0, $0xF;
	s10 =	sadd.s32 $0x200, s1;
	s11 =	sshrl.u32 s12, $0x3;
	s17 =	sadd.s32 s4, s3  }
0x144: {  	s1 =	sand.u32 $0x380, s14;
	s9 =	sadd.s32 $0x4A00, s2;
	s2 =	sadd.s32 s15, s17;
	v0 =	vadd.f32 v3, v1  }
0x145: {  	s13 =	sshrl.u32 s7, $0x3;
	s7 =	sshll.u32 s7, $0x7;
	s20 =	sadd.s32 s24, s10;
	v2 =	vld [tilespmem:s2+$0x200]  }
0x146: {  	s14 =	simm.s32 $0x20;
	s5 =	sadd.s32 s25, s20;
	s21 =	sadd.s32 s4, s16;
	v1 =	vld [tilespmem:s0+$0x280];
	[tilespmem:s0+$0x200] =	vst v0  }
0x147: {  	s19 =	smul.u32 $0x6000, s11;
	s12 =	sadd.s32 s15, s21;
	s22 =	sadd.s32 s24, s9;
	v0 =	vld [tilespmem:s5+$0x0]  }
0x148: {  	s13 =	smul.u32 $0x6000, s13;
	s23 =	sadd.s32 s4, s18;
	v3 =	vld [tilespmem:s12+$0x0];
	s5 =	sadd.s32 s25, s22  }
0x149: {  	s11 =	sshra.s32 s19, $0x2;
	s19 =	sand.u32 $0x70, s14;
	s26 =	sadd.s32 s15, s23;
	v4 =	vld [tilespmem:s5+$0x0]  }
0x14a: {  	s1 =	sor.u32 s1, s11;
	v5 =	vld [tilespmem:s26+$0x0];
	s12 =	sshra.s32 s13, $0x2;
	s13 =	simm.s32 $0x100  }
0x14b: {  	s11 =	sadd.s32 $0x200, s1;
	s1 =	sand.u32 $0x380, s7;
	s20 =	sand.u32 $0x1C00, s13  }
0x14c: {  	s14 =	sadd.s32 s4, s10;
	s1 =	sor.u32 s1, s12;
	s22 =	sadd.s32 s20, s16;
	v0 =	vadd.f32 v0, v1  }
0x14d: {  	s23 =	sshll.u32 s8, $0x7;
	s12 =	sadd.s32 $0x4A00, s1;
	s1 =	sadd.s32 s19, s22;
	v2 =	vadd.f32 v3, v2;
	v3 =	vld [tilespmem:s2+$0x280]  }
0x14e: {  	s21 =	sshrl.u32 s8, $0x3;
	s7 =	sand.u32 $0x380, s23;
	s17 =	sadd.s32 s20, s3;
	v6 =	vld [tilespmem:s1+$0x0];
	v0 =	vadd.f32 v4, v0  }
0x14f: {  	s23 =	sadd.s32 s4, s9;
	s26 =	sadd.s32 s24, s11;
	s17 =	sadd.s32 s19, s17;
	v2 =	vadd.f32 v5, v2;
	v1 =	vld [tilespmem:s0+$0x300]  }
0x150: {  	s13 =	sadd.s32 s25, s26;
	s5 =	smul.u32 $0x6000, s21;
	s22 =	sadd.s32 s24, s12;
	v4 =	vld [tilespmem:s17+$0x200];
	[tilespmem:s0+$0x280] =	vst v0  }
0x151: {  	s21 =	sadd.s32 s15, s14;
	s8 =	sadd.s32 s25, s22;
	s1 =	sadd.s32 s15, s23;
	[tilespmem:s2+$0x200] =	vst v2;
	v5 =	vld [tilespmem:s13+$0x0]  }
0x152: {  	s23 =	simm.s32 $0x30;
	s5 =	sshra.s32 s5, $0x2;
	s26 =	spop (v2sf);
	v2 =	vld [tilespmem:s21+$0x0]  }
0x153: {  	s5 =	sor.u32 s7, s5;
	s14 =	sshrl.u32 s26, $0x3;
	s22 =	sshll.u32 s26, $0x7;
	v7 =	vld [tilespmem:s8+$0x0]  }
0x154: {  	s26 =	simm.s32 $0x180;
	s21 =	sadd.s32 s20, s18;
	v8 =	vld [tilespmem:s1+$0x0];
	s1 =	sand.u32 $0x380, s22  }
0x155: {  	s22 =	sand.u32 $0x70, s23;
	s7 =	sadd.s32 s19, s21;
	s21 =	sand.u32 $0x1C00, s26;
	v0 =	vld [tilespmem:s0+$0x380]  }
0x156: {  	v9 =	vld [tilespmem:s7+$0x0];
	s23 =	sadd.s32 s21, s16;
	s8 =	sadd.s32 $0x200, s5;
	s5 =	smul.u32 $0x6000, s14;
	v5 =	vadd.f32 v5, v1  }
0x157: {  	s7 =	sadd.s32 s22, s23;
	v3 =	vadd.f32 v2, v3;
	v2 =	vld [tilespmem:s17+$0x280]  }
0x158: {  	s14 =	sadd.s32 s21, s3;
	s5 =	sshra.s32 s5, $0x2;
	v4 =	vadd.f32 v6, v4;
	v6 =	vld [tilespmem:s7+$0x0];
	v7 =	vadd.f32 v7, v5  }
0x159: {  	s14 =	sadd.s32 s22, s14;
	s13 =	sadd.s32 s24, s8;
	s1 =	sor.u32 s1, s5;
	v3 =	vadd.f32 v8, v3;
	v1 =	vld [tilespmem:s2+$0x300]  }
0x15a: {  	s7 =	sadd.s32 s25, s13;
	s5 =	sadd.s32 s4, s11;
	s23 =	sadd.s32 $0x4A00, s1;
	v5 =	vld [tilespmem:s14+$0x200];
	[tilespmem:s0+$0x300] =	vst v7  }
0x15b: {  	v4 =	vadd.f32 v9, v4;
	s1 =	sadd.s32 s15, s5;
	s13 =	sadd.s32 s24, s23;
	[tilespmem:s2+$0x280] =	vst v3;
	v3 =	vld [tilespmem:s7+$0x0]  }
0x15c: {  	s24 =	sadd.s32 s20, s10;
	s5 =	sadd.s32 s25, s13;
	v7 =	vld [tilespmem:s1+$0x0]  }
0x15d: {  	[tilespmem:s17+$0x200] =	vst v4;
	s13 =	sadd.s32 s19, s24;
	s25 =	sadd.s32 s4, s12;
	v4 =	vld [tilespmem:s5+$0x0]  }
0x15e: {  	s24 =	simm.s32 $0x40;
	v8 =	vld [tilespmem:s13+$0x0];
	s25 =	sadd.s32 s15, s25;
	s1 =	sadd.s32 s20, s9  }
.LBB2_9:
0x15f: {  	p0 =	sne.s32 s24, $0x2F0;
	s1 =	sadd.s32 s19, s1;
	v9 =	vld [tilespmem:s25+$0x0];
	s5 =	smov.u32 s15  }
0x160: {  	s7 =	sadd.s32 s21, s18;
	s15 =	smov.u32 s19;
	s19 =	smov.u32 s22;
	v10 =	vld [tilespmem:s1+$0x0];
	v3 =	vadd.f32 v3, v0  }
0x161: {  	s26 =	sadd.s32 $0x80, s26;
	s1 =	sadd.s32 s19, s7;
	s7 =	smov.u32 s17;
	v0 =	vld [tilespmem:s2+$0x380]  }
0x162: {  	s13 =	sand.u32 $0x1C00, s26;
	s17 =	smov.u32 s14;
	v7 =	vadd.f32 v7, v1;
	v11 =	vld [tilespmem:s1+$0x0];
	v3 =	vadd.f32 v4, v3  }
0x163: {  	s22 =	sand.u32 $0x70, s24;
	s1 =	sadd.s32 s13, s3;
	v4 =	vadd.f32 v8, v2;
	v1 =	vld [tilespmem:s7+$0x300]  }
0x164: {  	s14 =	sadd.s32 s22, s1;
	s1 =	sadd.s32 s13, s16;
	v2 =	vld [tilespmem:s17+$0x280];
	v7 =	vadd.f32 v9, v7;
	[tilespmem:s0+$0x380] =	vst v3;
	s0 =	smov.u32 s2  }
0x165: {  	s25 =	sadd.s32 s4, s8;
	s1 =	sadd.s32 s22, s1;
	v3 =	vadd.f32 v6, v5;
	s2 =	smov.u32 s7;
	v5 =	vld [tilespmem:s14+$0x200];
	v4 =	vadd.f32 v10, v4  }
.Ltmp3:
0x166: {  	s7 =	sadd.s32 s5, s25;
	v6 =	vld [tilespmem:s1+$0x0];
	s1 =	sadd.s32 s20, s11;
	[tilespmem:s0+$0x300] =	vst v7;
	(pc) =	sbr.rel @p0 .LBB2_9-.Ltmp3, $4  }
0x167: {  	v8 =	vadd.f32 v11, v3;
	[tilespmem:s2+$0x280] =	vst v4;
	s1 =	sadd.s32 s15, s1;
	v3 =	vld [tilespmem:s7+$0x0];
	s7 =	sadd.s32 s4, s23;
	s4 =	smov.u32 s20  }
0x168: {  	s25 =	sadd.s32 s21, s10;
	s20 =	smov.u32 s21;
	v7 =	vld [tilespmem:s1+$0x0];
	s1 =	sadd.s32 s5, s7  }
0x169: {  	s21 =	smov.u32 s13;
	s5 =	sadd.s32 s19, s25;
	s7 =	sadd.s32 s4, s12;
	[tilespmem:s17+$0x200] =	vst v8;
	v4 =	vld [tilespmem:s1+$0x0]  }
0x16a: {  	s24 =	sadd.s32 $0x10, s24;
	s1 =	sadd.s32 s20, s9;
	s25 =	sadd.s32 s15, s7;
	v8 =	vld [tilespmem:s5+$0x0]  }
0x16b: {  	s3 =	sadd.s32 s21, s18  }
0x16c: {  	s3 =	sadd.s32 s22, s3  }
0x16d: {  	v9 =	vld [tilespmem:s3+$0x0];
	_ =	sdelay $0x2  }
0x16e: {  	v5 =	vadd.f32 v6, v5;
	_ =	sdelay $0x1  }
0x16f: {  	v5 =	vadd.f32 v9, v5  }
0x170: {  	s24 =	sadd.s32 s21, s10  }
0x171: {  	v45 =	vld [tilespmem:s14+$0x280];
	s3 =	sadd.s32 s22, s24;
	[tilespmem:s14+$0x200] =	vst v5  }
0x172: {  	s1 =	sadd.s32 s19, s1;
	s26 =	sadd.s32 s21, s9;
	v5 =	vld [tilespmem:s3+$0x0]  }
0x173: {  	v46 =	vld [tilespmem:s1+$0x0];
	s3 =	sadd.s32 s22, s26  }
0x174: {  	v10 =	vld [tilespmem:s3+$0x0];
	_ =	sdelay $0x1  }
0x175: {  	v2 =	vadd.f32 v8, v2  }
0x176: {  	v5 =	vadd.f32 v5, v45  }
0x177: {  	v47 =	vld [tilespmem:s25+$0x0];
	v2 =	vadd.f32 v46, v2  }
0x178: {  	v48 =	vld [tilespmem:s17+$0x300];
	s5 =	sadd.s32 s20, s11;
	v5 =	vadd.f32 v10, v5  }
0x179: {  	v49 =	vld [tilespmem:s14+$0x300];
	s7 =	sadd.s32 s21, s11;
	s1 =	sadd.s32 s19, s5;
	[tilespmem:s17+$0x280] =	vst v2  }
0x17a: {  	s9 =	sadd.s32 s20, s12;
	v50 =	vld [tilespmem:s1+$0x0];
	s3 =	sadd.s32 s22, s7;
	[tilespmem:s14+$0x280] =	vst v5  }
0x17b: {  	s10 =	sadd.s32 s21, s12;
	s1 =	sadd.s32 s19, s9;
	v5 =	vld [tilespmem:s3+$0x0]  }
0x17c: {  	s11 =	sadd.s32 s22, s10;
	v51 =	vld [tilespmem:s1+$0x0]  }
0x17d: {  	v1 =	vadd.f32 v7, v1;
	v52 =	vld [tilespmem:s11+$0x0];
	_ =	sdelay $0x1  }
0x17e: {  	v53 =	vld [tilespmem:s2+$0x380];
	v1 =	vadd.f32 v47, v1;
	v54 =	vadd.f32 v50, v48  }
0x17f: {  	s12 =	sadd.s32 s4, s8;
	v57 =	vld [tilespmem:s17+$0x380];
	v2 =	vadd.f32 v5, v49  }
0x180: {  	s13 =	sadd.s32 s4, s23;
	v58 =	vld [tilespmem:s14+$0x380];
	[tilespmem:s2+$0x300] =	vst v1;
	s1 =	sadd.s32 s15, s12;
	v1 =	vadd.f32 v51, v54  }
0x181: {  	s16 =	sadd.s32 s20, s8;
	s15 =	sadd.s32 s15, s13;
	v55 =	vld [tilespmem:s1+$0x0];
	v2 =	vadd.f32 v52, v2  }
0x182: {  	s18 =	sadd.s32 s21, s8;
	v56 =	vld [tilespmem:s15+$0x0];
	s1 =	sadd.s32 s19, s16;
	[tilespmem:s17+$0x300] =	vst v1  }
0x183: {  	s20 =	sadd.s32 s20, s23;
	v59 =	vld [tilespmem:s1+$0x0];
	s3 =	sadd.s32 s22, s18;
	[tilespmem:s14+$0x300] =	vst v2  }
0x184: {  	s21 =	sadd.s32 s21, s23;
	s1 =	sadd.s32 s19, s20;
	v2 =	vld [tilespmem:s3+$0x0]  }
0x185: {  	v60 =	vld [tilespmem:s1+$0x0];
	s22 =	sadd.s32 s22, s21  }
0x186: {  	v0 =	vadd.f32 v3, v0;
	v61 =	vld [tilespmem:s22+$0x0]  }
0x187: {  	v8 =	vadd.f32 v55, v53  }
0x188: {  	v0 =	vadd.f32 v4, v0;
	v62 =	vadd.f32 v59, v57  }
0x189: {  	s23 =	sor.u32 s6, s29;
	v5 =	vadd.f32 v56, v8;
	v1 =	vadd.f32 v2, v58  }
0x18a: {  	s24 =	sshrl.u32 s23, $0x3;
	[tilespmem:s0+$0x380] =	vst v0;
	v63 =	vadd.f32 v60, v62  }
0x18b: {  	s0 =	smul.u32 $0x300, s24;
	[tilespmem:s2+$0x380] =	vst v5;
	v1 =	vadd.f32 v61, v1  }
0x18c: {  	s26 =	rddreg [dreg:$0x5];
	[tilespmem:s17+$0x380] =	vst v63  }
0x18d: {  	s25 =	sadd.s32 $0x5, s30;
	s30 =	simm.s32 $0x0;
	s0 =	sadd.s32 s26, s0;
	[tilespmem:s14+$0x380] =	vst v1  }
0x18e: {  	[hbm4b:s0+s30] =	stream.linear.scatter [tilespmem:s31], [sflag:s25], $0x3000, $0x38;
	[tilespmem:$0x12200] =	vst v63  }
0x18f: {  	s31 =	sadd.s32 $0xFFFFFFFF, s28  }
0x190: {  	p0 =	seq.s32 s28, $0x0;
	s0 =	sand.u32 $0x3, s31  }
0x191: {  	s1 =	sadd.s32 @!p0 $0x5, s0  }
0x192: {  	p1 =	sgt.u32 @!p0 s28, $0xC;
	_ =	swait.ge @!p0 [sflag:s1], $0x3000  }
0x193: {  	p1 =	por p0, !p1;
	[sflag:s1] =	ssyncset.done @!p0 $0x0  }
0x194: {  	s28 =	sadd.s32 $0x1, s28;
	[sflag:s1] =	ssyncadd.s32 @!p0 $0xFFFFD000;
	s1 =	rddreg @p1 [dreg:$0xc]  }
0x195: {  	s2 =	smul.u32 @p1 $0xC000, s0;
	p0 =	sne.s32 s28, $0x10;
	s1 =	sadd.s32 @p1 s29, s1  }
.Ltmp4:
0x196: {  	s1 =	sshrl.u32 @p1 s1, $0x3;
	(pc) =	sbr.rel @p0 .LBB2_2-.Ltmp4, $4  }
0x197: {  	s1 =	smul.u32 @p1 $0x300, s1  }
0x198: {  	s0 =	sadd.s32 @p1 $0x1, s0;
	s2 =	sshrl.u32 @p1 s2, $0x2;
	s3 =	rddreg @p1 [dreg:$0x2]  }
0x199: {  	s2 =	sadd.s32 @p1 $0x6200, s2;
	s1 =	sadd.s32 @p1 s3, s1;
	s3 =	simm.s32 @p1 $0x0  }
0x19a: {  	[tilespmem:s2], [sflag:s0] =	stream.linear.gather @p1 [hbm4b:s1+s3], $0x3000, $0x38;
	[tilespmem:$0x12200] =	vst v63  }
0x19b: {  	s1 =	simm.s32 $0x8  }
0x19c: {  	_ =	swait.ge [sflag:s1], $0x3000  }
0x19d: {  	s2 =	rddreg [dreg:$0xe]  }
0x19e: {  	s0 =	rddreg [dreg:$0xd];
	s2 =	sadd.s32 $0x1, s2  }
0x19f: {  	p0 =	sne.s32 s2, s0  }
.Ltmp5:
0x1a0: {  	_ = 	snop;
	(pc) =	sbr.rel @p0 .LBB2_1-.Ltmp5, $3  }
0x1a1: {  	_ =	sdelay $0x1  }
0x1a2: {  	[sflag:s1] =	ssyncset.done $0x0  }
0x1a3: {  	[sflag:s1] =	ssyncadd.s32 $0xFFFFD000  }
0x1a4: {  	_ =	sfence.sel $0x180000  }
0x1a5: {  	[bflag:$0x0] =	sbarrier.arrive $0xFFFF  }
0x1a6: {  	_ =	strace $0x90000047  }
0x1a7: {  	s0 =	stileid.u32;
	[bflag:$0x2] =	sbarrier.arrive $0xFFFF  }
0x1a8: {  	p0 =	sne.s32 s0, $0x0;
	s0 =	rddreg [dreg:$0x6]  }
0x1a9: {  	s0 =	sadd.s32 @!p0 $0x100000, s0  }
0x1aa: {  	[sflag:s0] =	ssyncadd.tile.s32 @!p0 $0x1;
	_ =	shalt  }
.Lfunc_end2:
_tile_overlayer_lowered:
.L_overlay_start_2:
0x1ab: {  	(tag) =	ssettag $0x2  }
0x1ac: {  	s0 =	rddreg [dreg:$0x0];
	s2 =	stileid.u32  }
0x1ad: {  	s1 =	rddreg [dreg:$0x1];
	p0 =	sne.s32 s2, $0x0  }
0x1ae: {  	s3 =	rddreg [dreg:$0x2];
	[bflag:$0x3] =	sbarrier.arrive $0xFFFF;
	s2 =	simm.s32 @!p0 $0x1C0D  }
0x1af: {  	[timem:s3], [sflag:s2] =	dma.local @!p0 [hbm:s0], s1  }
0x1b0: {  	s0 =	simm.s32 @!p0 $0xD  }
0x1b1: {  	_ =	swait.ge @!p0 [sflag:s0], s1  }
0x1b2: {  	s1 =	ssub.s32 @!p0 $0x0, s1;
	[sflag:s0] =	ssyncset.done @!p0 $0x0  }
0x1b3: {  	[sflag:s0] =	ssyncadd.s32 @!p0 s1  }
0x1b4: {  	[bflag:$0x3] =	sbarrier.arrive $0xFFFF  }
0x1b5: {  	_ =	shalt  }

</sc_bundles>
